<compile_context>
chip_gen: v7x
topology: tpu7x:2x2x1
jax: 0.10.2.dev20260603
libtpu: 0.0.44.dev20260713+nightly
codegen_flags: <defaults>
</compile_context>

<pallas_src>
import jax
import jax.numpy as jnp
from jax import lax
from jax.experimental import pallas as pl
from jax.experimental.pallas import tpu as pltpu
from jax.experimental.pallas import tpu_sc as plsc

N_NODES = 10000
N_EDGES = 320000
NC = 2
NS = 16
NW = NC * NS
CHUNK2 = 125
NCHUNKS2_W = N_EDGES // NW // CHUNK2

SLAB = 624
TAIL0 = NS * SLAB
TAIL = N_NODES - TAIL0
HIST_W = 16
HALF = 64


def _vector_mesh():
    return plsc.VectorSubcoreMesh(core_axis_name="c", subcore_axis_name="s")


_SC_PARAMS = pltpu.CompilerParams(use_tc_tiling_on_sc=False)


def _slab_copy(s, src_at, dst_at):
    row0 = pl.multiple_of(s * SLAB, 8)
    pltpu.sync_copy(src_at(pl.ds(row0, SLAB)), dst_at(pl.ds(row0, SLAB)))

    @pl.when(s == 0)
    def _():
        pltpu.sync_copy(src_at(pl.ds(TAIL0, TAIL)), dst_at(pl.ds(TAIL0, TAIL)))




def _hist_kernel(dst_hbm, ones_hbm, zeros_hbm, out_hbm, dst_v, ones_v, deg_sh):
    c = lax.axis_index("c")
    s = lax.axis_index("s")
    wid = s * NC + c
    pltpu.sync_copy(dst_hbm.at[wid], dst_v)
    pltpu.sync_copy(ones_hbm, ones_v)
    _slab_copy(s, lambda d: zeros_hbm.at[d], lambda d: deg_sh.at[d])
    plsc.subcore_barrier()

    @pl.loop(0, NCHUNKS2_W)
    def _(j):
        pltpu.sync_copy(ones_v, deg_sh.at[dst_v.at[j]], add=True)

    plsc.subcore_barrier()
    _slab_copy(s, lambda d: deg_sh.at[d], lambda d: out_hbm.at[c, d])


def _degree_histogram(dst3w):
    ones = jnp.ones((CHUNK2, HIST_W), jnp.float32)
    zeros = jnp.zeros((N_NODES, HIST_W), jnp.float32)
    k = pl.kernel(
        _hist_kernel,
        out_type=jax.ShapeDtypeStruct((NC, N_NODES, HIST_W), jnp.float32),
        mesh=_vector_mesh(),
        compiler_params=_SC_PARAMS,
        scratch_types=[
            pltpu.VMEM((NCHUNKS2_W, CHUNK2), jnp.int32),
            pltpu.VMEM((CHUNK2, HIST_W), jnp.float32),
            pltpu.VMEM_SHARED((N_NODES, HIST_W), jnp.float32),
        ],
    )
    return k(dst3w, ones, zeros)


def _gather_scatter_loop(g_ref, src_v, dst_v, rows_v, acc_sh, sems, nchunks):
    for b in range(2):
        pltpu.async_copy(g_ref.at[src_v.at[b]], rows_v.at[b], sems.at[b])

    @pl.loop(0, nchunks, step=2)
    def _(j):
        for b in range(2):
            k = j + b
            pltpu.make_async_copy(g_ref.at[src_v.at[k]], rows_v.at[b],
                                  sems.at[b]).wait()
            pltpu.sync_copy(rows_v.at[b], acc_sh.at[dst_v.at[k]], add=True)

            @pl.when(k + 2 < nchunks)
            def _():
                pltpu.async_copy(g_ref.at[src_v.at[k + 2]], rows_v.at[b],
                                 sems.at[b])


def _make_conv_kernel(nchunks):
    def _conv_kernel(g_hbm, src_hbm, dst_hbm, out_hbm, src_v, dst_v, rows_v,
                     acc_sh, sems):
        c = lax.axis_index("c")
        s = lax.axis_index("s")
        wid = s * NC + c
        pltpu.sync_copy(src_hbm.at[wid], src_v)
        pltpu.sync_copy(dst_hbm.at[wid], dst_v)
        _slab_copy(s, lambda d: g_hbm.at[d], lambda d: acc_sh.at[d])
        plsc.subcore_barrier()
        _gather_scatter_loop(g_hbm, src_v, dst_v, rows_v, acc_sh, sems,
                             nchunks)
        plsc.subcore_barrier()
        _slab_copy(s, lambda d: acc_sh.at[d], lambda d: out_hbm.at[c, d])

    return _conv_kernel


def _aggregate(g, src3, dst3):
    width = g.shape[1]
    nchunks, chunk = src3.shape[1], src3.shape[2]
    k = pl.kernel(
        _make_conv_kernel(nchunks),
        out_type=jax.ShapeDtypeStruct((NC, N_NODES, width), jnp.bfloat16),
        mesh=_vector_mesh(),
        compiler_params=_SC_PARAMS,
        scratch_types=[
            pltpu.VMEM((nchunks, chunk), jnp.int32),
            pltpu.VMEM((nchunks, chunk), jnp.int32),
            pltpu.VMEM((2, chunk, width), jnp.bfloat16),
            pltpu.VMEM_SHARED((N_NODES, width), jnp.bfloat16),
            pltpu.SemaphoreType.DMA((2,)),
        ],
    )
    return k(g, src3, dst3)



_BLK = 10000


def _dinv_block(deg_ref):
    deg = deg_ref[0, :, 0:1] + deg_ref[1, :, 0:1] + 1.0
    return lax.rsqrt(deg)


def _mm_kernel(x_ref, w_ref, o_ref):
    o_ref[...] = jnp.dot(x_ref[...], w_ref[...],
                         preferred_element_type=jnp.float32)


def _scale_kernel(h_ref, deg_ref, o_ref):
    o_ref[...] = (_dinv_block(deg_ref) * h_ref[...]).astype(jnp.bfloat16)


def _combine(acc_ref, g_ref):
    a0 = acc_ref[0].astype(jnp.float32)
    a1 = acc_ref[1].astype(jnp.float32)
    return a0 + a1 - g_ref[...].astype(jnp.float32)


def _mid_kernel(acc_ref, g_ref, deg_ref, b_ref, w_ref, o_ref):
    dinv = _dinv_block(deg_ref)
    z = dinv * _combine(acc_ref, g_ref) + b_ref[...]
    z = jnp.maximum(z, 0.0)
    o_ref[...] = (dinv * jnp.dot(z, w_ref[...],
                                 preferred_element_type=jnp.float32)
                  ).astype(jnp.bfloat16)


def _final_kernel(acc_ref, g_ref, deg_ref, b_ref, o_ref):
    dinv = _dinv_block(deg_ref)
    y = dinv * _combine(acc_ref, g_ref) + b_ref[...]
    m = jnp.max(y, axis=1, keepdims=True)
    e = jnp.exp(y - m)
    o_ref[...] = (y - m) - jnp.log(jnp.sum(e, axis=1, keepdims=True))


def _matmul1(x, w):
    din, dout = w.shape
    n = x.shape[0]
    return pl.pallas_call(
        _mm_kernel,
        grid=(n // _BLK,),
        in_specs=[
            pl.BlockSpec((_BLK, din), lambda i: (i, 0)),
            pl.BlockSpec((din, dout), lambda i: (0, 0)),
        ],
        out_specs=pl.BlockSpec((_BLK, dout), lambda i: (i, 0)),
        out_shape=jax.ShapeDtypeStruct((n, dout), jnp.float32),
    )(x, w)


def _scale_stage(h, degpair):
    n, dout = h.shape
    return pl.pallas_call(
        _scale_kernel,
        grid=(n // _BLK,),
        in_specs=[
            pl.BlockSpec((_BLK, dout), lambda i: (i, 0)),
            pl.BlockSpec((NC, _BLK, HIST_W), lambda i: (0, i, 0)),
        ],
        out_specs=pl.BlockSpec((_BLK, dout), lambda i: (i, 0)),
        out_shape=jax.ShapeDtypeStruct((n, dout), jnp.bfloat16),
    )(h, degpair)


def _mid_stage(accpair, g, degpair, b, w):
    din, dout = w.shape
    n = accpair.shape[1]
    return pl.pallas_call(
        _mid_kernel,
        grid=(n // _BLK,),
        in_specs=[
            pl.BlockSpec((NC, _BLK, din), lambda i: (0, i, 0)),
            pl.BlockSpec((_BLK, din), lambda i: (i, 0)),
            pl.BlockSpec((NC, _BLK, HIST_W), lambda i: (0, i, 0)),
            pl.BlockSpec((1, din), lambda i: (0, 0)),
            pl.BlockSpec((din, dout), lambda i: (0, 0)),
        ],
        out_specs=pl.BlockSpec((_BLK, dout), lambda i: (i, 0)),
        out_shape=jax.ShapeDtypeStruct((n, dout), jnp.bfloat16),
    )(accpair, g, degpair, b.reshape(1, din), w)


def _final_stage(accpair, g, degpair, b):
    n, dout = g.shape
    return pl.pallas_call(
        _final_kernel,
        grid=(n // _BLK,),
        in_specs=[
            pl.BlockSpec((NC, _BLK, dout), lambda i: (0, i, 0)),
            pl.BlockSpec((_BLK, dout), lambda i: (i, 0)),
            pl.BlockSpec((NC, _BLK, HIST_W), lambda i: (0, i, 0)),
            pl.BlockSpec((1, dout), lambda i: (0, 0)),
        ],
        out_specs=pl.BlockSpec((_BLK, dout), lambda i: (i, 0)),
        out_shape=jax.ShapeDtypeStruct((n, dout), jnp.float32),
    )(accpair, g, degpair, b.reshape(1, dout))




@jax.jit
def kernel(x, edge_index, W1, b1, W2, b2):
    ei = edge_index.astype(jnp.int32)
    src3 = ei[0].reshape(NW, NCHUNKS2_W, CHUNK2)
    dst3 = ei[1].reshape(NW, NCHUNKS2_W, CHUNK2)
    h = _matmul1(x, W1)
    degpair = _degree_histogram(dst3)
    g1 = _scale_stage(h, degpair)
    acc1 = _aggregate(g1, src3, dst3)
    g2 = _mid_stage(acc1, g1, degpair, b1, W2)
    acc2 = _aggregate(g2, src3, dst3)
    return _final_stage(acc2, g2, degpair, b2)

# --- scband reference (transcript-rebuilt; emitter-appended) ---
"""Pipeline reference for scband-gcnencoder-32186484916266 (READ-ONLY COPY).

The authoritative reference and input builder live on the scoring server;
editing this copy changes nothing except your own understanding.
"""

import jax, jax.numpy as jnp
import numpy as np

N_NODES = 10000
N_EDGES = 320000
IN_CH = 128
HIDDEN = 128
OUT_CH = 64


def setup_inputs(seed: int = 0) -> dict:
    key = jax.random.key(seed)
    k1, k2, k3, k4, k5, k6 = jax.random.split(key, 6)
    x = jax.random.normal(k1, (N_NODES, IN_CH), dtype=jnp.float32)
    edge_index = jax.random.randint(k2, (2, N_EDGES), 0, N_NODES, dtype=jnp.int64)
    # glorot-style init for GCN linear weights
    W1 = jax.random.normal(k3, (IN_CH, HIDDEN), dtype=jnp.float32) * (1.0 / np.sqrt(IN_CH))
    b1 = jnp.zeros((HIDDEN,), dtype=jnp.float32)
    W2 = jax.random.normal(k4, (HIDDEN, OUT_CH), dtype=jnp.float32) * (1.0 / np.sqrt(HIDDEN))
    b2 = jnp.zeros((OUT_CH,), dtype=jnp.float32)
    return {"x": x, "edge_index": edge_index, "W1": W1, "b1": b1, "W2": W2, "b2": b2}


def _gcn_conv(x, src, dst, W, b, n_nodes):
    # GCNConv: out = D^{-1/2} (A + I) D^{-1/2} (x W) + b
    # degree computed over edges with self-loops already appended
    deg = jnp.zeros((n_nodes,), dtype=jnp.float32).at[dst].add(1.0)
    deg_inv_sqrt = jnp.where(deg > 0, jax.lax.rsqrt(deg), 0.0)
    norm = deg_inv_sqrt[src] * deg_inv_sqrt[dst]
    h = x @ W
    msg = h[src] * norm[:, None]
    out = jnp.zeros((n_nodes, W.shape[1]), dtype=x.dtype).at[dst].add(msg)
    return out + b


def reference(x, edge_index, W1, b1, W2, b2):
    n = x.shape[0]
    loop = jnp.arange(n, dtype=edge_index.dtype)
    src = jnp.concatenate([edge_index[0], loop])
    dst = jnp.concatenate([edge_index[1], loop])
    # dropout is identity in eval mode
    h = _gcn_conv(x, src, dst, W1, b1, n)
    h = jax.nn.relu(h)
    h = _gcn_conv(h, src, dst, W2, b2, n)
    return jax.nn.log_softmax(h, axis=1)

if __name__ == "__main__":
    import jax
    _d = setup_inputs()
    print(jax.jit(kernel)(*tuple(_d.values())))

</pallas_src>

<mosaic_0001>
#map = affine_map<(d0, d1) -> (0, 0)>
#map1 = affine_map<(d0, d1) -> (0, 0, 0)>
module attributes {stable_mosaic.version = 14 : i64} {
  func.func @_conv_kernel(%arg0: i32, %arg1: i32, %arg2: memref<10000x128xbf16, #tpu.memory_space<hbm>>, %arg3: memref<32x80x125xi32, #tpu.memory_space<hbm>>, %arg4: memref<32x80x125xi32, #tpu.memory_space<hbm>>, %arg5: memref<2x10000x128xbf16, #tpu.memory_space<hbm>>, %arg6: memref<80x125xi32, #tpu.memory_space<vmem>>, %arg7: memref<80x125xi32, #tpu.memory_space<vmem>>, %arg8: memref<2x125x128xbf16, #tpu.memory_space<vmem>>, %arg9: memref<10000x128xbf16, #tpu.memory_space<vmem_shared>>, %arg10: memref<2x!tpu.dma_semaphore, #tpu.memory_space<semaphore_mem>>) attributes {dimension_semantics = [#tpu.dimension_semantics<core_parallel>, #tpu.dimension_semantics<subcore_parallel>], iteration_bounds = array<i64: 2, 16>, scalar_prefetch = 0 : i64, scratch_operands = 5 : i64, tpu.core_type = #tpu.core_type<sc_vector_subcore>, window_params = [{transform_indices = #map}, {transform_indices = #map1}, {transform_indices = #map1}, {transform_indices = #map1}]} {
    %mul3A = arith.constant 2 : i32
    %mul3A_0 = arith.muli %arg1, %mul3A : i32
    %add3A = arith.addi %mul3A_0, %arg0 : i32
    "tpu.region"() ({
      %run_scoped3A = tpu.sem_alloc : memref<!tpu.dma_semaphore, #tpu.memory_space<semaphore_mem>>
      %dma_start3A_47 = arith.constant 0 : i32
      %dma_start3A_48 = arith.constant 0 : i32
      %dma_start3A_49 = tpu.memref_slice %arg3[%add3A, %dma_start3A_47, %dma_start3A_48] : memref<32x80x125xi32, #tpu.memory_space<hbm>> -> memref<1x80x125xi32, #tpu.memory_space<hbm>>
      %dma_start3A_50 = tpu.memref_squeeze %dma_start3A_49 : memref<1x80x125xi32, #tpu.memory_space<hbm>> -> memref<80x125xi32, #tpu.memory_space<hbm>>
      %dma_start3A_51 = arith.constant 0 : i32
      %dma_start3A_52 = arith.constant 0 : i32
      %dma_start3A_53 = tpu.memref_slice %arg3[%add3A, %dma_start3A_51, %dma_start3A_52] : memref<32x80x125xi32, #tpu.memory_space<hbm>> -> memref<1x80x125xi32, #tpu.memory_space<hbm>>
      %dma_start3A_54 = tpu.memref_squeeze %dma_start3A_53 : memref<1x80x125xi32, #tpu.memory_space<hbm>> -> memref<80x125xi32, #tpu.memory_space<hbm>>
      tpu.enqueue_dma source(%dma_start3A_54 : memref<80x125xi32, #tpu.memory_space<hbm>>) target(%arg6 : memref<80x125xi32, #tpu.memory_space<vmem>>) target_semaphore(%run_scoped3A : memref<!tpu.dma_semaphore, #tpu.memory_space<semaphore_mem>>)
      %dma_wait3A = arith.constant 0 : i32
      %dma_wait3A_55 = arith.constant 0 : i32
      %dma_wait3A_56 = tpu.memref_slice %arg3[%add3A, %dma_wait3A, %dma_wait3A_55] : memref<32x80x125xi32, #tpu.memory_space<hbm>> -> memref<1x80x125xi32, #tpu.memory_space<hbm>>
      %dma_wait3A_57 = tpu.memref_squeeze %dma_wait3A_56 : memref<1x80x125xi32, #tpu.memory_space<hbm>> -> memref<80x125xi32, #tpu.memory_space<hbm>>
      %dma_wait3A_58 = arith.constant 0 : i32
      %dma_wait3A_59 = arith.constant 0 : i32
      %dma_wait3A_60 = tpu.memref_slice %arg3[%add3A, %dma_wait3A_58, %dma_wait3A_59] : memref<32x80x125xi32, #tpu.memory_space<hbm>> -> memref<1x80x125xi32, #tpu.memory_space<hbm>>
      %dma_wait3A_61 = tpu.memref_squeeze %dma_wait3A_60 : memref<1x80x125xi32, #tpu.memory_space<hbm>> -> memref<80x125xi32, #tpu.memory_space<hbm>>
      tpu.wait_dma2 semaphore(%run_scoped3A : memref<!tpu.dma_semaphore, #tpu.memory_space<semaphore_mem>>) src(%dma_wait3A_61 : memref<80x125xi32, #tpu.memory_space<hbm>>) dst(%arg6 : memref<80x125xi32, #tpu.memory_space<vmem>>)
      tpu.yield
    }) : () -> ()
    "tpu.region"() ({
      %run_scoped3A = tpu.sem_alloc : memref<!tpu.dma_semaphore, #tpu.memory_space<semaphore_mem>>
      %dma_start3A_47 = arith.constant 0 : i32
      %dma_start3A_48 = arith.constant 0 : i32
      %dma_start3A_49 = tpu.memref_slice %arg4[%add3A, %dma_start3A_47, %dma_start3A_48] : memref<32x80x125xi32, #tpu.memory_space<hbm>> -> memref<1x80x125xi32, #tpu.memory_space<hbm>>
      %dma_start3A_50 = tpu.memref_squeeze %dma_start3A_49 : memref<1x80x125xi32, #tpu.memory_space<hbm>> -> memref<80x125xi32, #tpu.memory_space<hbm>>
      %dma_start3A_51 = arith.constant 0 : i32
      %dma_start3A_52 = arith.constant 0 : i32
      %dma_start3A_53 = tpu.memref_slice %arg4[%add3A, %dma_start3A_51, %dma_start3A_52] : memref<32x80x125xi32, #tpu.memory_space<hbm>> -> memref<1x80x125xi32, #tpu.memory_space<hbm>>
      %dma_start3A_54 = tpu.memref_squeeze %dma_start3A_53 : memref<1x80x125xi32, #tpu.memory_space<hbm>> -> memref<80x125xi32, #tpu.memory_space<hbm>>
      tpu.enqueue_dma source(%dma_start3A_54 : memref<80x125xi32, #tpu.memory_space<hbm>>) target(%arg7 : memref<80x125xi32, #tpu.memory_space<vmem>>) target_semaphore(%run_scoped3A : memref<!tpu.dma_semaphore, #tpu.memory_space<semaphore_mem>>)
      %dma_wait3A = arith.constant 0 : i32
      %dma_wait3A_55 = arith.constant 0 : i32
      %dma_wait3A_56 = tpu.memref_slice %arg4[%add3A, %dma_wait3A, %dma_wait3A_55] : memref<32x80x125xi32, #tpu.memory_space<hbm>> -> memref<1x80x125xi32, #tpu.memory_space<hbm>>
      %dma_wait3A_57 = tpu.memref_squeeze %dma_wait3A_56 : memref<1x80x125xi32, #tpu.memory_space<hbm>> -> memref<80x125xi32, #tpu.memory_space<hbm>>
      %dma_wait3A_58 = arith.constant 0 : i32
      %dma_wait3A_59 = arith.constant 0 : i32
      %dma_wait3A_60 = tpu.memref_slice %arg4[%add3A, %dma_wait3A_58, %dma_wait3A_59] : memref<32x80x125xi32, #tpu.memory_space<hbm>> -> memref<1x80x125xi32, #tpu.memory_space<hbm>>
      %dma_wait3A_61 = tpu.memref_squeeze %dma_wait3A_60 : memref<1x80x125xi32, #tpu.memory_space<hbm>> -> memref<80x125xi32, #tpu.memory_space<hbm>>
      tpu.wait_dma2 semaphore(%run_scoped3A : memref<!tpu.dma_semaphore, #tpu.memory_space<semaphore_mem>>) src(%dma_wait3A_61 : memref<80x125xi32, #tpu.memory_space<hbm>>) dst(%arg7 : memref<80x125xi32, #tpu.memory_space<vmem>>)
      tpu.yield
    }) : () -> ()
    %mul3A_1 = arith.constant 624 : i32
    %mul3A_2 = arith.muli %arg1, %mul3A_1 : i32
    %multiple_of3A = tpu.assume_multiple %mul3A_2, 8 : i32
    "tpu.region"() ({
      %run_scoped3A = tpu.sem_alloc : memref<!tpu.dma_semaphore, #tpu.memory_space<semaphore_mem>>
      %dma_start3A_47 = arith.constant 0 : i32
      %dma_start3A_48 = tpu.memref_slice %arg9[%multiple_of3A, %dma_start3A_47] : memref<10000x128xbf16, #tpu.memory_space<vmem_shared>> -> memref<624x128xbf16, #tpu.memory_space<vmem_shared>>
      %dma_start3A_49 = arith.constant 0 : i32
      %dma_start3A_50 = tpu.memref_slice %arg2[%multiple_of3A, %dma_start3A_49] : memref<10000x128xbf16, #tpu.memory_space<hbm>> -> memref<624x128xbf16, #tpu.memory_space<hbm>>
      tpu.enqueue_dma source(%dma_start3A_50 : memref<624x128xbf16, #tpu.memory_space<hbm>>) target(%dma_start3A_48 : memref<624x128xbf16, #tpu.memory_space<vmem_shared>>) target_semaphore(%run_scoped3A : memref<!tpu.dma_semaphore, #tpu.memory_space<semaphore_mem>>)
      %dma_wait3A = arith.constant 0 : i32
      %dma_wait3A_51 = tpu.memref_slice %arg9[%multiple_of3A, %dma_wait3A] : memref<10000x128xbf16, #tpu.memory_space<vmem_shared>> -> memref<624x128xbf16, #tpu.memory_space<vmem_shared>>
      %dma_wait3A_52 = arith.constant 0 : i32
      %dma_wait3A_53 = tpu.memref_slice %arg2[%multiple_of3A, %dma_wait3A_52] : memref<10000x128xbf16, #tpu.memory_space<hbm>> -> memref<624x128xbf16, #tpu.memory_space<hbm>>
      tpu.wait_dma2 semaphore(%run_scoped3A : memref<!tpu.dma_semaphore, #tpu.memory_space<semaphore_mem>>) src(%dma_wait3A_53 : memref<624x128xbf16, #tpu.memory_space<hbm>>) dst(%dma_wait3A_51 : memref<624x128xbf16, #tpu.memory_space<vmem_shared>>)
      tpu.yield
    }) : () -> ()
    %eq3A = arith.constant 0 : i32
    %eq3A_3 = arith.cmpi eq, %arg1, %eq3A : i32
    %convert_element_type3A = arith.extui %eq3A_3 : i1 to i32
    %cond3A = arith.constant 0 : i32
    %cond3A_4 = arith.cmpi ne, %convert_element_type3A, %cond3A : i32
    scf.if %cond3A_4 {
      "tpu.region"() ({
        %run_scoped3A = tpu.sem_alloc : memref<!tpu.dma_semaphore, #tpu.memory_space<semaphore_mem>>
        %dma_start3A_47 = arith.constant 9984 : i32
        %dma_start3A_48 = arith.constant 0 : i32
        %dma_start3A_49 = tpu.memref_slice %arg9[%dma_start3A_47, %dma_start3A_48] : memref<10000x128xbf16, #tpu.memory_space<vmem_shared>> -> memref<16x128xbf16, #tpu.memory_space<vmem_shared>>
        %dma_start3A_50 = arith.constant 9984 : i32
        %dma_start3A_51 = arith.constant 0 : i32
        %dma_start3A_52 = tpu.memref_slice %arg2[%dma_start3A_50, %dma_start3A_51] : memref<10000x128xbf16, #tpu.memory_space<hbm>> -> memref<16x128xbf16, #tpu.memory_space<hbm>>
        tpu.enqueue_dma source(%dma_start3A_52 : memref<16x128xbf16, #tpu.memory_space<hbm>>) target(%dma_start3A_49 : memref<16x128xbf16, #tpu.memory_space<vmem_shared>>) target_semaphore(%run_scoped3A : memref<!tpu.dma_semaphore, #tpu.memory_space<semaphore_mem>>)
        %dma_wait3A = arith.constant 9984 : i32
        %dma_wait3A_53 = arith.constant 0 : i32
        %dma_wait3A_54 = tpu.memref_slice %arg9[%dma_wait3A, %dma_wait3A_53] : memref<10000x128xbf16, #tpu.memory_space<vmem_shared>> -> memref<16x128xbf16, #tpu.memory_space<vmem_shared>>
        %dma_wait3A_55 = arith.constant 9984 : i32
        %dma_wait3A_56 = arith.constant 0 : i32
        %dma_wait3A_57 = tpu.memref_slice %arg2[%dma_wait3A_55, %dma_wait3A_56] : memref<10000x128xbf16, #tpu.memory_space<hbm>> -> memref<16x128xbf16, #tpu.memory_space<hbm>>
        tpu.wait_dma2 semaphore(%run_scoped3A : memref<!tpu.dma_semaphore, #tpu.memory_space<semaphore_mem>>) src(%dma_wait3A_57 : memref<16x128xbf16, #tpu.memory_space<hbm>>) dst(%dma_wait3A_54 : memref<16x128xbf16, #tpu.memory_space<vmem_shared>>)
        tpu.yield
      }) : () -> ()
    } else {
    }
    %barrier3A = arith.constant 0 : index
    tpu.barrier barrier_id(%barrier3A)
    %dma_start3A = arith.constant 0 : i32
    %dma_start3A_5 = arith.constant 0 : i32
    %dma_start3A_6 = arith.constant 0 : i32
    %dma_start3A_7 = arith.constant 0 : i32
    %dma_start3A_8 = arith.constant 0 : i32
    %dma_start3A_9 = tpu.memref_slice %arg8[%dma_start3A_5, %dma_start3A_7, %dma_start3A_8] : memref<2x125x128xbf16, #tpu.memory_space<vmem>> -> memref<1x125x128xbf16, #tpu.memory_space<vmem>>
    %dma_start3A_10 = tpu.memref_squeeze %dma_start3A_9 : memref<1x125x128xbf16, #tpu.memory_space<vmem>> -> memref<125x128xbf16, #tpu.memory_space<vmem>>
    %dma_start3A_11 = arith.constant 0 : i32
    %dma_start3A_12 = tpu.memref_slice %arg6[%dma_start3A, %dma_start3A_11] : memref<80x125xi32, #tpu.memory_space<vmem>> -> memref<1x125xi32, #tpu.memory_space<vmem>>
    %dma_start3A_13 = tpu.memref_squeeze %dma_start3A_12 : memref<1x125xi32, #tpu.memory_space<vmem>> -> memref<125xi32, #tpu.memory_space<vmem>>
    %dma_start3A_14 = arith.constant 0 : i32
    %dma_start3A_15 = arith.constant 0 : i32
    %dma_start3A_16 = tpu.memref_slice %arg2[%dma_start3A_14, %dma_start3A_15] : memref<10000x128xbf16, #tpu.memory_space<hbm>> -> memref<10000x128xbf16, #tpu.memory_space<hbm>>
    %dma_start3A_17 = tpu.memref_slice %arg10[%dma_start3A_6] : memref<2x!tpu.dma_semaphore, #tpu.memory_space<semaphore_mem>> -> memref<1x!tpu.dma_semaphore, #tpu.memory_space<semaphore_mem>>
    %dma_start3A_18 = tpu.memref_squeeze %dma_start3A_17 : memref<1x!tpu.dma_semaphore, #tpu.memory_space<semaphore_mem>> -> memref<!tpu.dma_semaphore, #tpu.memory_space<semaphore_mem>>
    tpu.enqueue_indirect_dma source(%dma_start3A_16 : memref<10000x128xbf16, #tpu.memory_space<hbm>>) target(%dma_start3A_10 : memref<125x128xbf16, #tpu.memory_space<vmem>>) offsets(%dma_start3A_13 : memref<125xi32, #tpu.memory_space<vmem>>) semaphore(%dma_start3A_18 : memref<!tpu.dma_semaphore, #tpu.memory_space<semaphore_mem>>)
    %dma_start3A_19 = arith.constant 1 : i32
    %dma_start3A_20 = arith.constant 1 : i32
    %dma_start3A_21 = arith.constant 1 : i32
    %dma_start3A_22 = arith.constant 0 : i32
    %dma_start3A_23 = arith.constant 0 : i32
    %dma_start3A_24 = tpu.memref_slice %arg8[%dma_start3A_20, %dma_start3A_22, %dma_start3A_23] : memref<2x125x128xbf16, #tpu.memory_space<vmem>> -> memref<1x125x128xbf16, #tpu.memory_space<vmem>>
    %dma_start3A_25 = tpu.memref_squeeze %dma_start3A_24 : memref<1x125x128xbf16, #tpu.memory_space<vmem>> -> memref<125x128xbf16, #tpu.memory_space<vmem>>
    %dma_start3A_26 = arith.constant 0 : i32
    %dma_start3A_27 = tpu.memref_slice %arg6[%dma_start3A_19, %dma_start3A_26] : memref<80x125xi32, #tpu.memory_space<vmem>> -> memref<1x125xi32, #tpu.memory_space<vmem>>
    %dma_start3A_28 = tpu.memref_squeeze %dma_start3A_27 : memref<1x125xi32, #tpu.memory_space<vmem>> -> memref<125xi32, #tpu.memory_space<vmem>>
    %dma_start3A_29 = arith.constant 0 : i32
    %dma_start3A_30 = arith.constant 0 : i32
    %dma_start3A_31 = tpu.memref_slice %arg2[%dma_start3A_29, %dma_start3A_30] : memref<10000x128xbf16, #tpu.memory_space<hbm>> -> memref<10000x128xbf16, #tpu.memory_space<hbm>>
    %dma_start3A_32 = tpu.memref_slice %arg10[%dma_start3A_21] : memref<2x!tpu.dma_semaphore, #tpu.memory_space<semaphore_mem>> -> memref<1x!tpu.dma_semaphore, #tpu.memory_space<semaphore_mem>>
    %dma_start3A_33 = tpu.memref_squeeze %dma_start3A_32 : memref<1x!tpu.dma_semaphore, #tpu.memory_space<semaphore_mem>> -> memref<!tpu.dma_semaphore, #tpu.memory_space<semaphore_mem>>
    tpu.enqueue_indirect_dma source(%dma_start3A_31 : memref<10000x128xbf16, #tpu.memory_space<hbm>>) target(%dma_start3A_25 : memref<125x128xbf16, #tpu.memory_space<vmem>>) offsets(%dma_start3A_28 : memref<125xi32, #tpu.memory_space<vmem>>) semaphore(%dma_start3A_33 : memref<!tpu.dma_semaphore, #tpu.memory_space<semaphore_mem>>)
    %scan3A = arith.constant 0 : i32
    %scan3A_34 = arith.constant 40 : i32
    %scan3A_35 = arith.addi %scan3A, %scan3A_34 : i32
    %scan3A_36 = arith.constant 1 : i32
    scf.for %scan3A_47 = %scan3A to %scan3A_35 step %scan3A_36  : i32 {
      %mul3A_48 = arith.constant 2 : i32
      %mul3A_49 = arith.muli %scan3A_47, %mul3A_48 : i32
      %add3A_50 = arith.constant 0 : i32
      %add3A_51 = arith.addi %add3A_50, %mul3A_49 : i32
      %add3A_52 = arith.constant 0 : i32
      %add3A_53 = arith.addi %add3A_51, %add3A_52 : i32
      %dma_wait3A = arith.constant 0 : i32
      %dma_wait3A_54 = arith.constant 0 : i32
      %dma_wait3A_55 = arith.constant 0 : i32
      %dma_wait3A_56 = arith.constant 0 : i32
      %dma_wait3A_57 = tpu.memref_slice %arg8[%dma_wait3A, %dma_wait3A_55, %dma_wait3A_56] : memref<2x125x128xbf16, #tpu.memory_space<vmem>> -> memref<1x125x128xbf16, #tpu.memory_space<vmem>>
      %dma_wait3A_58 = tpu.memref_squeeze %dma_wait3A_57 : memref<1x125x128xbf16, #tpu.memory_space<vmem>> -> memref<125x128xbf16, #tpu.memory_space<vmem>>
      %dma_wait3A_59 = arith.constant 0 : i32
      %dma_wait3A_60 = tpu.memref_slice %arg6[%add3A_53, %dma_wait3A_59] : memref<80x125xi32, #tpu.memory_space<vmem>> -> memref<1x125xi32, #tpu.memory_space<vmem>>
      %dma_wait3A_61 = tpu.memref_squeeze %dma_wait3A_60 : memref<1x125xi32, #tpu.memory_space<vmem>> -> memref<125xi32, #tpu.memory_space<vmem>>
      %dma_wait3A_62 = arith.constant 0 : i32
      %dma_wait3A_63 = arith.constant 0 : i32
      %dma_wait3A_64 = tpu.memref_slice %arg2[%dma_wait3A_62, %dma_wait3A_63] : memref<10000x128xbf16, #tpu.memory_space<hbm>> -> memref<10000x128xbf16, #tpu.memory_space<hbm>>
      %dma_wait3A_65 = tpu.memref_slice %arg10[%dma_wait3A_54] : memref<2x!tpu.dma_semaphore, #tpu.memory_space<semaphore_mem>> -> memref<1x!tpu.dma_semaphore, #tpu.memory_space<semaphore_mem>>
      %dma_wait3A_66 = tpu.memref_squeeze %dma_wait3A_65 : memref<1x!tpu.dma_semaphore, #tpu.memory_space<semaphore_mem>> -> memref<!tpu.dma_semaphore, #tpu.memory_space<semaphore_mem>>
      tpu.wait_indirect_dma semaphore(%dma_wait3A_66 : memref<!tpu.dma_semaphore, #tpu.memory_space<semaphore_mem>>) src(%dma_wait3A_64 : memref<10000x128xbf16, #tpu.memory_space<hbm>>) dst(%dma_wait3A_58 : memref<125x128xbf16, #tpu.memory_space<vmem>>)
      %run_scoped3A = arith.constant 0 : i32
      "tpu.region"() ({
        %run_scoped3A_97 = tpu.sem_alloc : memref<!tpu.dma_semaphore, #tpu.memory_space<semaphore_mem>>
        %dma_start3A_98 = arith.constant 0 : i32
        %dma_start3A_99 = arith.constant 0 : i32
        %dma_start3A_100 = tpu.memref_slice %arg8[%run_scoped3A, %dma_start3A_98, %dma_start3A_99] : memref<2x125x128xbf16, #tpu.memory_space<vmem>> -> memref<1x125x128xbf16, #tpu.memory_space<vmem>>
        %dma_start3A_101 = tpu.memref_squeeze %dma_start3A_100 : memref<1x125x128xbf16, #tpu.memory_space<vmem>> -> memref<125x128xbf16, #tpu.memory_space<vmem>>
        %dma_start3A_102 = arith.constant 0 : i32
        %dma_start3A_103 = tpu.memref_slice %arg7[%add3A_53, %dma_start3A_102] : memref<80x125xi32, #tpu.memory_space<vmem>> -> memref<1x125xi32, #tpu.memory_space<vmem>>
        %dma_start3A_104 = tpu.memref_squeeze %dma_start3A_103 : memref<1x125xi32, #tpu.memory_space<vmem>> -> memref<125xi32, #tpu.memory_space<vmem>>
        %dma_start3A_105 = arith.constant 0 : i32
        %dma_start3A_106 = arith.constant 0 : i32
        %dma_start3A_107 = tpu.memref_slice %arg9[%dma_start3A_105, %dma_start3A_106] : memref<10000x128xbf16, #tpu.memory_space<vmem_shared>> -> memref<10000x128xbf16, #tpu.memory_space<vmem_shared>>
        tpu.enqueue_indirect_dma source(%dma_start3A_101 : memref<125x128xbf16, #tpu.memory_space<vmem>>) target(%dma_start3A_107 : memref<10000x128xbf16, #tpu.memory_space<vmem_shared>>) offsets(%dma_start3A_104 : memref<125xi32, #tpu.memory_space<vmem>>) semaphore(%run_scoped3A_97 : memref<!tpu.dma_semaphore, #tpu.memory_space<semaphore_mem>>) {add = true}
        %dma_wait3A_108 = arith.constant 0 : i32
        %dma_wait3A_109 = arith.constant 0 : i32
        %dma_wait3A_110 = tpu.memref_slice %arg8[%run_scoped3A, %dma_wait3A_108, %dma_wait3A_109] : memref<2x125x128xbf16, #tpu.memory_space<vmem>> -> memref<1x125x128xbf16, #tpu.memory_space<vmem>>
        %dma_wait3A_111 = tpu.memref_squeeze %dma_wait3A_110 : memref<1x125x128xbf16, #tpu.memory_space<vmem>> -> memref<125x128xbf16, #tpu.memory_space<vmem>>
        %dma_wait3A_112 = arith.constant 0 : i32
        %dma_wait3A_113 = tpu.memref_slice %arg7[%add3A_53, %dma_wait3A_112] : memref<80x125xi32, #tpu.memory_space<vmem>> -> memref<1x125xi32, #tpu.memory_space<vmem>>
        %dma_wait3A_114 = tpu.memref_squeeze %dma_wait3A_113 : memref<1x125xi32, #tpu.memory_space<vmem>> -> memref<125xi32, #tpu.memory_space<vmem>>
        %dma_wait3A_115 = arith.constant 0 : i32
        %dma_wait3A_116 = arith.constant 0 : i32
        %dma_wait3A_117 = tpu.memref_slice %arg9[%dma_wait3A_115, %dma_wait3A_116] : memref<10000x128xbf16, #tpu.memory_space<vmem_shared>> -> memref<10000x128xbf16, #tpu.memory_space<vmem_shared>>
        tpu.wait_indirect_dma semaphore(%run_scoped3A_97 : memref<!tpu.dma_semaphore, #tpu.memory_space<semaphore_mem>>) src(%dma_wait3A_111 : memref<125x128xbf16, #tpu.memory_space<vmem>>) dst(%dma_wait3A_117 : memref<10000x128xbf16, #tpu.memory_space<vmem_shared>>)
        tpu.yield
      }) : () -> ()
      %add3A_67 = arith.constant 2 : i32
      %add3A_68 = arith.addi %add3A_53, %add3A_67 : i32
      %lt3A = arith.constant 80 : i32
      %lt3A_69 = arith.cmpi slt, %add3A_68, %lt3A : i32
      %convert_element_type3A_70 = arith.extui %lt3A_69 : i1 to i32
      %cond3A_71 = arith.constant 0 : i32
      %cond3A_72 = arith.cmpi ne, %convert_element_type3A_70, %cond3A_71 : i32
      scf.if %cond3A_72 {
        %add3A_97 = arith.constant 2 : i32
        %add3A_98 = arith.addi %add3A_53, %add3A_97 : i32
        %dma_start3A_99 = arith.constant 0 : i32
        %dma_start3A_100 = arith.constant 0 : i32
        %dma_start3A_101 = arith.constant 0 : i32
        %dma_start3A_102 = arith.constant 0 : i32
        %dma_start3A_103 = tpu.memref_slice %arg8[%dma_start3A_99, %dma_start3A_101, %dma_start3A_102] : memref<2x125x128xbf16, #tpu.memory_space<vmem>> -> memref<1x125x128xbf16, #tpu.memory_space<vmem>>
        %dma_start3A_104 = tpu.memref_squeeze %dma_start3A_103 : memref<1x125x128xbf16, #tpu.memory_space<vmem>> -> memref<125x128xbf16, #tpu.memory_space<vmem>>
        %dma_start3A_105 = arith.constant 0 : i32
        %dma_start3A_106 = tpu.memref_slice %arg6[%add3A_98, %dma_start3A_105] : memref<80x125xi32, #tpu.memory_space<vmem>> -> memref<1x125xi32, #tpu.memory_space<vmem>>
        %dma_start3A_107 = tpu.memref_squeeze %dma_start3A_106 : memref<1x125xi32, #tpu.memory_space<vmem>> -> memref<125xi32, #tpu.memory_space<vmem>>
        %dma_start3A_108 = arith.constant 0 : i32
        %dma_start3A_109 = arith.constant 0 : i32
        %dma_start3A_110 = tpu.memref_slice %arg2[%dma_start3A_108, %dma_start3A_109] : memref<10000x128xbf16, #tpu.memory_space<hbm>> -> memref<10000x128xbf16, #tpu.memory_space<hbm>>
        %dma_start3A_111 = tpu.memref_slice %arg10[%dma_start3A_100] : memref<2x!tpu.dma_semaphore, #tpu.memory_space<semaphore_mem>> -> memref<1x!tpu.dma_semaphore, #tpu.memory_space<semaphore_mem>>
        %dma_start3A_112 = tpu.memref_squeeze %dma_start3A_111 : memref<1x!tpu.dma_semaphore, #tpu.memory_space<semaphore_mem>> -> memref<!tpu.dma_semaphore, #tpu.memory_space<semaphore_mem>>
        tpu.enqueue_indirect_dma source(%dma_start3A_110 : memref<10000x128xbf16, #tpu.memory_space<hbm>>) target(%dma_start3A_104 : memref<125x128xbf16, #tpu.memory_space<vmem>>) offsets(%dma_start3A_107 : memref<125xi32, #tpu.memory_space<vmem>>) semaphore(%dma_start3A_112 : memref<!tpu.dma_semaphore, #tpu.memory_space<semaphore_mem>>)
      } else {
      }
      %add3A_73 = arith.constant 1 : i32
      %add3A_74 = arith.addi %add3A_51, %add3A_73 : i32
      %dma_wait3A_75 = arith.constant 1 : i32
      %dma_wait3A_76 = arith.constant 1 : i32
      %dma_wait3A_77 = arith.constant 0 : i32
      %dma_wait3A_78 = arith.constant 0 : i32
      %dma_wait3A_79 = tpu.memref_slice %arg8[%dma_wait3A_75, %dma_wait3A_77, %dma_wait3A_78] : memref<2x125x128xbf16, #tpu.memory_space<vmem>> -> memref<1x125x128xbf16, #tpu.memory_space<vmem>>
      %dma_wait3A_80 = tpu.memref_squeeze %dma_wait3A_79 : memref<1x125x128xbf16, #tpu.memory_space<vmem>> -> memref<125x128xbf16, #tpu.memory_space<vmem>>
      %dma_wait3A_81 = arith.constant 0 : i32
      %dma_wait3A_82 = tpu.memref_slice %arg6[%add3A_74, %dma_wait3A_81] : memref<80x125xi32, #tpu.memory_space<vmem>> -> memref<1x125xi32, #tpu.memory_space<vmem>>
      %dma_wait3A_83 = tpu.memref_squeeze %dma_wait3A_82 : memref<1x125xi32, #tpu.memory_space<vmem>> -> memref<125xi32, #tpu.memory_space<vmem>>
      %dma_wait3A_84 = arith.constant 0 : i32
      %dma_wait3A_85 = arith.constant 0 : i32
      %dma_wait3A_86 = tpu.memref_slice %arg2[%dma_wait3A_84, %dma_wait3A_85] : memref<10000x128xbf16, #tpu.memory_space<hbm>> -> memref<10000x128xbf16, #tpu.memory_space<hbm>>
      %dma_wait3A_87 = tpu.memref_slice %arg10[%dma_wait3A_76] : memref<2x!tpu.dma_semaphore, #tpu.memory_space<semaphore_mem>> -> memref<1x!tpu.dma_semaphore, #tpu.memory_space<semaphore_mem>>
      %dma_wait3A_88 = tpu.memref_squeeze %dma_wait3A_87 : memref<1x!tpu.dma_semaphore, #tpu.memory_space<semaphore_mem>> -> memref<!tpu.dma_semaphore, #tpu.memory_space<semaphore_mem>>
      tpu.wait_indirect_dma semaphore(%dma_wait3A_88 : memref<!tpu.dma_semaphore, #tpu.memory_space<semaphore_mem>>) src(%dma_wait3A_86 : memref<10000x128xbf16, #tpu.memory_space<hbm>>) dst(%dma_wait3A_80 : memref<125x128xbf16, #tpu.memory_space<vmem>>)
      %run_scoped3A_89 = arith.constant 1 : i32
      "tpu.region"() ({
        %run_scoped3A_97 = tpu.sem_alloc : memref<!tpu.dma_semaphore, #tpu.memory_space<semaphore_mem>>
        %dma_start3A_98 = arith.constant 0 : i32
        %dma_start3A_99 = arith.constant 0 : i32
        %dma_start3A_100 = tpu.memref_slice %arg8[%run_scoped3A_89, %dma_start3A_98, %dma_start3A_99] : memref<2x125x128xbf16, #tpu.memory_space<vmem>> -> memref<1x125x128xbf16, #tpu.memory_space<vmem>>
        %dma_start3A_101 = tpu.memref_squeeze %dma_start3A_100 : memref<1x125x128xbf16, #tpu.memory_space<vmem>> -> memref<125x128xbf16, #tpu.memory_space<vmem>>
        %dma_start3A_102 = arith.constant 0 : i32
        %dma_start3A_103 = tpu.memref_slice %arg7[%add3A_74, %dma_start3A_102] : memref<80x125xi32, #tpu.memory_space<vmem>> -> memref<1x125xi32, #tpu.memory_space<vmem>>
        %dma_start3A_104 = tpu.memref_squeeze %dma_start3A_103 : memref<1x125xi32, #tpu.memory_space<vmem>> -> memref<125xi32, #tpu.memory_space<vmem>>
        %dma_start3A_105 = arith.constant 0 : i32
        %dma_start3A_106 = arith.constant 0 : i32
        %dma_start3A_107 = tpu.memref_slice %arg9[%dma_start3A_105, %dma_start3A_106] : memref<10000x128xbf16, #tpu.memory_space<vmem_shared>> -> memref<10000x128xbf16, #tpu.memory_space<vmem_shared>>
        tpu.enqueue_indirect_dma source(%dma_start3A_101 : memref<125x128xbf16, #tpu.memory_space<vmem>>) target(%dma_start3A_107 : memref<10000x128xbf16, #tpu.memory_space<vmem_shared>>) offsets(%dma_start3A_104 : memref<125xi32, #tpu.memory_space<vmem>>) semaphore(%run_scoped3A_97 : memref<!tpu.dma_semaphore, #tpu.memory_space<semaphore_mem>>) {add = true}
        %dma_wait3A_108 = arith.constant 0 : i32
        %dma_wait3A_109 = arith.constant 0 : i32
        %dma_wait3A_110 = tpu.memref_slice %arg8[%run_scoped3A_89, %dma_wait3A_108, %dma_wait3A_109] : memref<2x125x128xbf16, #tpu.memory_space<vmem>> -> memref<1x125x128xbf16, #tpu.memory_space<vmem>>
        %dma_wait3A_111 = tpu.memref_squeeze %dma_wait3A_110 : memref<1x125x128xbf16, #tpu.memory_space<vmem>> -> memref<125x128xbf16, #tpu.memory_space<vmem>>
        %dma_wait3A_112 = arith.constant 0 : i32
        %dma_wait3A_113 = tpu.memref_slice %arg7[%add3A_74, %dma_wait3A_112] : memref<80x125xi32, #tpu.memory_space<vmem>> -> memref<1x125xi32, #tpu.memory_space<vmem>>
        %dma_wait3A_114 = tpu.memref_squeeze %dma_wait3A_113 : memref<1x125xi32, #tpu.memory_space<vmem>> -> memref<125xi32, #tpu.memory_space<vmem>>
        %dma_wait3A_115 = arith.constant 0 : i32
        %dma_wait3A_116 = arith.constant 0 : i32
        %dma_wait3A_117 = tpu.memref_slice %arg9[%dma_wait3A_115, %dma_wait3A_116] : memref<10000x128xbf16, #tpu.memory_space<vmem_shared>> -> memref<10000x128xbf16, #tpu.memory_space<vmem_shared>>
        tpu.wait_indirect_dma semaphore(%run_scoped3A_97 : memref<!tpu.dma_semaphore, #tpu.memory_space<semaphore_mem>>) src(%dma_wait3A_111 : memref<125x128xbf16, #tpu.memory_space<vmem>>) dst(%dma_wait3A_117 : memref<10000x128xbf16, #tpu.memory_space<vmem_shared>>)
        tpu.yield
      }) : () -> ()
      %add3A_90 = arith.constant 2 : i32
      %add3A_91 = arith.addi %add3A_74, %add3A_90 : i32
      %lt3A_92 = arith.constant 80 : i32
      %lt3A_93 = arith.cmpi slt, %add3A_91, %lt3A_92 : i32
      %convert_element_type3A_94 = arith.extui %lt3A_93 : i1 to i32
      %cond3A_95 = arith.constant 0 : i32
      %cond3A_96 = arith.cmpi ne, %convert_element_type3A_94, %cond3A_95 : i32
      scf.if %cond3A_96 {
        %add3A_97 = arith.constant 2 : i32
        %add3A_98 = arith.addi %add3A_74, %add3A_97 : i32
        %dma_start3A_99 = arith.constant 1 : i32
        %dma_start3A_100 = arith.constant 1 : i32
        %dma_start3A_101 = arith.constant 0 : i32
        %dma_start3A_102 = arith.constant 0 : i32
        %dma_start3A_103 = tpu.memref_slice %arg8[%dma_start3A_99, %dma_start3A_101, %dma_start3A_102] : memref<2x125x128xbf16, #tpu.memory_space<vmem>> -> memref<1x125x128xbf16, #tpu.memory_space<vmem>>
        %dma_start3A_104 = tpu.memref_squeeze %dma_start3A_103 : memref<1x125x128xbf16, #tpu.memory_space<vmem>> -> memref<125x128xbf16, #tpu.memory_space<vmem>>
        %dma_start3A_105 = arith.constant 0 : i32
        %dma_start3A_106 = tpu.memref_slice %arg6[%add3A_98, %dma_start3A_105] : memref<80x125xi32, #tpu.memory_space<vmem>> -> memref<1x125xi32, #tpu.memory_space<vmem>>
        %dma_start3A_107 = tpu.memref_squeeze %dma_start3A_106 : memref<1x125xi32, #tpu.memory_space<vmem>> -> memref<125xi32, #tpu.memory_space<vmem>>
        %dma_start3A_108 = arith.constant 0 : i32
        %dma_start3A_109 = arith.constant 0 : i32
        %dma_start3A_110 = tpu.memref_slice %arg2[%dma_start3A_108, %dma_start3A_109] : memref<10000x128xbf16, #tpu.memory_space<hbm>> -> memref<10000x128xbf16, #tpu.memory_space<hbm>>
        %dma_start3A_111 = tpu.memref_slice %arg10[%dma_start3A_100] : memref<2x!tpu.dma_semaphore, #tpu.memory_space<semaphore_mem>> -> memref<1x!tpu.dma_semaphore, #tpu.memory_space<semaphore_mem>>
        %dma_start3A_112 = tpu.memref_squeeze %dma_start3A_111 : memref<1x!tpu.dma_semaphore, #tpu.memory_space<semaphore_mem>> -> memref<!tpu.dma_semaphore, #tpu.memory_space<semaphore_mem>>
        tpu.enqueue_indirect_dma source(%dma_start3A_110 : memref<10000x128xbf16, #tpu.memory_space<hbm>>) target(%dma_start3A_104 : memref<125x128xbf16, #tpu.memory_space<vmem>>) offsets(%dma_start3A_107 : memref<125xi32, #tpu.memory_space<vmem>>) semaphore(%dma_start3A_112 : memref<!tpu.dma_semaphore, #tpu.memory_space<semaphore_mem>>)
      } else {
      }
    }
    %scan3A_37 = arith.constant 40 : i32
    %barrier3A_38 = arith.constant 0 : index
    tpu.barrier barrier_id(%barrier3A_38)
    %mul3A_39 = arith.constant 624 : i32
    %mul3A_40 = arith.muli %arg1, %mul3A_39 : i32
    %multiple_of3A_41 = tpu.assume_multiple %mul3A_40, 8 : i32
    "tpu.region"() ({
      %run_scoped3A = tpu.sem_alloc : memref<!tpu.dma_semaphore, #tpu.memory_space<semaphore_mem>>
      %dma_start3A_47 = arith.constant 0 : i32
      %dma_start3A_48 = tpu.memref_slice %arg5[%arg0, %multiple_of3A_41, %dma_start3A_47] : memref<2x10000x128xbf16, #tpu.memory_space<hbm>> -> memref<1x624x128xbf16, #tpu.memory_space<hbm>>
      %dma_start3A_49 = tpu.memref_squeeze %dma_start3A_48 : memref<1x624x128xbf16, #tpu.memory_space<hbm>> -> memref<624x128xbf16, #tpu.memory_space<hbm>>
      %dma_start3A_50 = arith.constant 0 : i32
      %dma_start3A_51 = tpu.memref_slice %arg9[%multiple_of3A_41, %dma_start3A_50] : memref<10000x128xbf16, #tpu.memory_space<vmem_shared>> -> memref<624x128xbf16, #tpu.memory_space<vmem_shared>>
      tpu.enqueue_dma source(%dma_start3A_51 : memref<624x128xbf16, #tpu.memory_space<vmem_shared>>) target(%dma_start3A_49 : memref<624x128xbf16, #tpu.memory_space<hbm>>) target_semaphore(%run_scoped3A : memref<!tpu.dma_semaphore, #tpu.memory_space<semaphore_mem>>)
      %dma_wait3A = arith.constant 0 : i32
      %dma_wait3A_52 = tpu.memref_slice %arg5[%arg0, %multiple_of3A_41, %dma_wait3A] : memref<2x10000x128xbf16, #tpu.memory_space<hbm>> -> memref<1x624x128xbf16, #tpu.memory_space<hbm>>
      %dma_wait3A_53 = tpu.memref_squeeze %dma_wait3A_52 : memref<1x624x128xbf16, #tpu.memory_space<hbm>> -> memref<624x128xbf16, #tpu.memory_space<hbm>>
      %dma_wait3A_54 = arith.constant 0 : i32
      %dma_wait3A_55 = tpu.memref_slice %arg9[%multiple_of3A_41, %dma_wait3A_54] : memref<10000x128xbf16, #tpu.memory_space<vmem_shared>> -> memref<624x128xbf16, #tpu.memory_space<vmem_shared>>
      tpu.wait_dma2 semaphore(%run_scoped3A : memref<!tpu.dma_semaphore, #tpu.memory_space<semaphore_mem>>) src(%dma_wait3A_55 : memref<624x128xbf16, #tpu.memory_space<vmem_shared>>) dst(%dma_wait3A_53 : memref<624x128xbf16, #tpu.memory_space<hbm>>)
      tpu.yield
    }) : () -> ()
    %eq3A_42 = arith.constant 0 : i32
    %eq3A_43 = arith.cmpi eq, %arg1, %eq3A_42 : i32
    %convert_element_type3A_44 = arith.extui %eq3A_43 : i1 to i32
    %cond3A_45 = arith.constant 0 : i32
    %cond3A_46 = arith.cmpi ne, %convert_element_type3A_44, %cond3A_45 : i32
    scf.if %cond3A_46 {
      "tpu.region"() ({
        %run_scoped3A = tpu.sem_alloc : memref<!tpu.dma_semaphore, #tpu.memory_space<semaphore_mem>>
        %dma_start3A_47 = arith.constant 9984 : i32
        %dma_start3A_48 = arith.constant 0 : i32
        %dma_start3A_49 = tpu.memref_slice %arg5[%arg0, %dma_start3A_47, %dma_start3A_48] : memref<2x10000x128xbf16, #tpu.memory_space<hbm>> -> memref<1x16x128xbf16, #tpu.memory_space<hbm>>
        %dma_start3A_50 = tpu.memref_squeeze %dma_start3A_49 : memref<1x16x128xbf16, #tpu.memory_space<hbm>> -> memref<16x128xbf16, #tpu.memory_space<hbm>>
        %dma_start3A_51 = arith.constant 9984 : i32
        %dma_start3A_52 = arith.constant 0 : i32
        %dma_start3A_53 = tpu.memref_slice %arg9[%dma_start3A_51, %dma_start3A_52] : memref<10000x128xbf16, #tpu.memory_space<vmem_shared>> -> memref<16x128xbf16, #tpu.memory_space<vmem_shared>>
        tpu.enqueue_dma source(%dma_start3A_53 : memref<16x128xbf16, #tpu.memory_space<vmem_shared>>) target(%dma_start3A_50 : memref<16x128xbf16, #tpu.memory_space<hbm>>) target_semaphore(%run_scoped3A : memref<!tpu.dma_semaphore, #tpu.memory_space<semaphore_mem>>)
        %dma_wait3A = arith.constant 9984 : i32
        %dma_wait3A_54 = arith.constant 0 : i32
        %dma_wait3A_55 = tpu.memref_slice %arg5[%arg0, %dma_wait3A, %dma_wait3A_54] : memref<2x10000x128xbf16, #tpu.memory_space<hbm>> -> memref<1x16x128xbf16, #tpu.memory_space<hbm>>
        %dma_wait3A_56 = tpu.memref_squeeze %dma_wait3A_55 : memref<1x16x128xbf16, #tpu.memory_space<hbm>> -> memref<16x128xbf16, #tpu.memory_space<hbm>>
        %dma_wait3A_57 = arith.constant 9984 : i32
        %dma_wait3A_58 = arith.constant 0 : i32
        %dma_wait3A_59 = tpu.memref_slice %arg9[%dma_wait3A_57, %dma_wait3A_58] : memref<10000x128xbf16, #tpu.memory_space<vmem_shared>> -> memref<16x128xbf16, #tpu.memory_space<vmem_shared>>
        tpu.wait_dma2 semaphore(%run_scoped3A : memref<!tpu.dma_semaphore, #tpu.memory_space<semaphore_mem>>) src(%dma_wait3A_59 : memref<16x128xbf16, #tpu.memory_space<vmem_shared>>) dst(%dma_wait3A_56 : memref<16x128xbf16, #tpu.memory_space<hbm>>)
        tpu.yield
      }) : () -> ()
    } else {
    }
    return
  }
}

#map = affine_map<(d0, d1) -> (0, 0, 0)>
#map1 = affine_map<(d0, d1) -> (0, 0)>
module attributes {stable_mosaic.version = 14 : i64} {
  func.func @_hist_kernel(%arg0: i32, %arg1: i32, %arg2: memref<32x80x125xi32, #tpu.memory_space<hbm>>, %arg3: memref<125x16xf32, #tpu.memory_space<hbm>>, %arg4: memref<10000x16xf32, #tpu.memory_space<hbm>>, %arg5: memref<2x10000x16xf32, #tpu.memory_space<hbm>>, %arg6: memref<80x125xi32, #tpu.memory_space<vmem>>, %arg7: memref<125x16xf32, #tpu.memory_space<vmem>>, %arg8: memref<10000x16xf32, #tpu.memory_space<vmem_shared>>) attributes {dimension_semantics = [#tpu.dimension_semantics<core_parallel>, #tpu.dimension_semantics<subcore_parallel>], iteration_bounds = array<i64: 2, 16>, scalar_prefetch = 0 : i64, scratch_operands = 3 : i64, tpu.core_type = #tpu.core_type<sc_vector_subcore>, window_params = [{transform_indices = #map}, {transform_indices = #map1}, {transform_indices = #map1}, {transform_indices = #map}]} {
    %mul3A = arith.constant 2 : i32
    %mul3A_0 = arith.muli %arg1, %mul3A : i32
    %add3A = arith.addi %mul3A_0, %arg0 : i32
    "tpu.region"() ({
      %run_scoped3A = tpu.sem_alloc : memref<!tpu.dma_semaphore, #tpu.memory_space<semaphore_mem>>
      %dma_start3A = arith.constant 0 : i32
      %dma_start3A_18 = arith.constant 0 : i32
      %dma_start3A_19 = tpu.memref_slice %arg2[%add3A, %dma_start3A, %dma_start3A_18] : memref<32x80x125xi32, #tpu.memory_space<hbm>> -> memref<1x80x125xi32, #tpu.memory_space<hbm>>
      %dma_start3A_20 = tpu.memref_squeeze %dma_start3A_19 : memref<1x80x125xi32, #tpu.memory_space<hbm>> -> memref<80x125xi32, #tpu.memory_space<hbm>>
      %dma_start3A_21 = arith.constant 0 : i32
      %dma_start3A_22 = arith.constant 0 : i32
      %dma_start3A_23 = tpu.memref_slice %arg2[%add3A, %dma_start3A_21, %dma_start3A_22] : memref<32x80x125xi32, #tpu.memory_space<hbm>> -> memref<1x80x125xi32, #tpu.memory_space<hbm>>
      %dma_start3A_24 = tpu.memref_squeeze %dma_start3A_23 : memref<1x80x125xi32, #tpu.memory_space<hbm>> -> memref<80x125xi32, #tpu.memory_space<hbm>>
      tpu.enqueue_dma source(%dma_start3A_24 : memref<80x125xi32, #tpu.memory_space<hbm>>) target(%arg6 : memref<80x125xi32, #tpu.memory_space<vmem>>) target_semaphore(%run_scoped3A : memref<!tpu.dma_semaphore, #tpu.memory_space<semaphore_mem>>)
      %dma_wait3A = arith.constant 0 : i32
      %dma_wait3A_25 = arith.constant 0 : i32
      %dma_wait3A_26 = tpu.memref_slice %arg2[%add3A, %dma_wait3A, %dma_wait3A_25] : memref<32x80x125xi32, #tpu.memory_space<hbm>> -> memref<1x80x125xi32, #tpu.memory_space<hbm>>
      %dma_wait3A_27 = tpu.memref_squeeze %dma_wait3A_26 : memref<1x80x125xi32, #tpu.memory_space<hbm>> -> memref<80x125xi32, #tpu.memory_space<hbm>>
      %dma_wait3A_28 = arith.constant 0 : i32
      %dma_wait3A_29 = arith.constant 0 : i32
      %dma_wait3A_30 = tpu.memref_slice %arg2[%add3A, %dma_wait3A_28, %dma_wait3A_29] : memref<32x80x125xi32, #tpu.memory_space<hbm>> -> memref<1x80x125xi32, #tpu.memory_space<hbm>>
      %dma_wait3A_31 = tpu.memref_squeeze %dma_wait3A_30 : memref<1x80x125xi32, #tpu.memory_space<hbm>> -> memref<80x125xi32, #tpu.memory_space<hbm>>
      tpu.wait_dma2 semaphore(%run_scoped3A : memref<!tpu.dma_semaphore, #tpu.memory_space<semaphore_mem>>) src(%dma_wait3A_31 : memref<80x125xi32, #tpu.memory_space<hbm>>) dst(%arg6 : memref<80x125xi32, #tpu.memory_space<vmem>>)
      tpu.yield
    }) : () -> ()
    "tpu.region"() ({
      %run_scoped3A = tpu.sem_alloc : memref<!tpu.dma_semaphore, #tpu.memory_space<semaphore_mem>>
      tpu.enqueue_dma source(%arg3 : memref<125x16xf32, #tpu.memory_space<hbm>>) target(%arg7 : memref<125x16xf32, #tpu.memory_space<vmem>>) target_semaphore(%run_scoped3A : memref<!tpu.dma_semaphore, #tpu.memory_space<semaphore_mem>>)
      tpu.wait_dma2 semaphore(%run_scoped3A : memref<!tpu.dma_semaphore, #tpu.memory_space<semaphore_mem>>) src(%arg3 : memref<125x16xf32, #tpu.memory_space<hbm>>) dst(%arg7 : memref<125x16xf32, #tpu.memory_space<vmem>>)
      tpu.yield
    }) : () -> ()
    %mul3A_1 = arith.constant 624 : i32
    %mul3A_2 = arith.muli %arg1, %mul3A_1 : i32
    %multiple_of3A = tpu.assume_multiple %mul3A_2, 8 : i32
    "tpu.region"() ({
      %run_scoped3A = tpu.sem_alloc : memref<!tpu.dma_semaphore, #tpu.memory_space<semaphore_mem>>
      %dma_start3A = arith.constant 0 : i32
      %dma_start3A_18 = tpu.memref_slice %arg8[%multiple_of3A, %dma_start3A] : memref<10000x16xf32, #tpu.memory_space<vmem_shared>> -> memref<624x16xf32, #tpu.memory_space<vmem_shared>>
      %dma_start3A_19 = arith.constant 0 : i32
      %dma_start3A_20 = tpu.memref_slice %arg4[%multiple_of3A, %dma_start3A_19] : memref<10000x16xf32, #tpu.memory_space<hbm>> -> memref<624x16xf32, #tpu.memory_space<hbm>>
      tpu.enqueue_dma source(%dma_start3A_20 : memref<624x16xf32, #tpu.memory_space<hbm>>) target(%dma_start3A_18 : memref<624x16xf32, #tpu.memory_space<vmem_shared>>) target_semaphore(%run_scoped3A : memref<!tpu.dma_semaphore, #tpu.memory_space<semaphore_mem>>)
      %dma_wait3A = arith.constant 0 : i32
      %dma_wait3A_21 = tpu.memref_slice %arg8[%multiple_of3A, %dma_wait3A] : memref<10000x16xf32, #tpu.memory_space<vmem_shared>> -> memref<624x16xf32, #tpu.memory_space<vmem_shared>>
      %dma_wait3A_22 = arith.constant 0 : i32
      %dma_wait3A_23 = tpu.memref_slice %arg4[%multiple_of3A, %dma_wait3A_22] : memref<10000x16xf32, #tpu.memory_space<hbm>> -> memref<624x16xf32, #tpu.memory_space<hbm>>
      tpu.wait_dma2 semaphore(%run_scoped3A : memref<!tpu.dma_semaphore, #tpu.memory_space<semaphore_mem>>) src(%dma_wait3A_23 : memref<624x16xf32, #tpu.memory_space<hbm>>) dst(%dma_wait3A_21 : memref<624x16xf32, #tpu.memory_space<vmem_shared>>)
      tpu.yield
    }) : () -> ()
    %eq3A = arith.constant 0 : i32
    %eq3A_3 = arith.cmpi eq, %arg1, %eq3A : i32
    %convert_element_type3A = arith.extui %eq3A_3 : i1 to i32
    %cond3A = arith.constant 0 : i32
    %cond3A_4 = arith.cmpi ne, %convert_element_type3A, %cond3A : i32
    scf.if %cond3A_4 {
      "tpu.region"() ({
        %run_scoped3A = tpu.sem_alloc : memref<!tpu.dma_semaphore, #tpu.memory_space<semaphore_mem>>
        %dma_start3A = arith.constant 9984 : i32
        %dma_start3A_18 = arith.constant 0 : i32
        %dma_start3A_19 = tpu.memref_slice %arg8[%dma_start3A, %dma_start3A_18] : memref<10000x16xf32, #tpu.memory_space<vmem_shared>> -> memref<16x16xf32, #tpu.memory_space<vmem_shared>>
        %dma_start3A_20 = arith.constant 9984 : i32
        %dma_start3A_21 = arith.constant 0 : i32
        %dma_start3A_22 = tpu.memref_slice %arg4[%dma_start3A_20, %dma_start3A_21] : memref<10000x16xf32, #tpu.memory_space<hbm>> -> memref<16x16xf32, #tpu.memory_space<hbm>>
        tpu.enqueue_dma source(%dma_start3A_22 : memref<16x16xf32, #tpu.memory_space<hbm>>) target(%dma_start3A_19 : memref<16x16xf32, #tpu.memory_space<vmem_shared>>) target_semaphore(%run_scoped3A : memref<!tpu.dma_semaphore, #tpu.memory_space<semaphore_mem>>)
        %dma_wait3A = arith.constant 9984 : i32
        %dma_wait3A_23 = arith.constant 0 : i32
        %dma_wait3A_24 = tpu.memref_slice %arg8[%dma_wait3A, %dma_wait3A_23] : memref<10000x16xf32, #tpu.memory_space<vmem_shared>> -> memref<16x16xf32, #tpu.memory_space<vmem_shared>>
        %dma_wait3A_25 = arith.constant 9984 : i32
        %dma_wait3A_26 = arith.constant 0 : i32
        %dma_wait3A_27 = tpu.memref_slice %arg4[%dma_wait3A_25, %dma_wait3A_26] : memref<10000x16xf32, #tpu.memory_space<hbm>> -> memref<16x16xf32, #tpu.memory_space<hbm>>
        tpu.wait_dma2 semaphore(%run_scoped3A : memref<!tpu.dma_semaphore, #tpu.memory_space<semaphore_mem>>) src(%dma_wait3A_27 : memref<16x16xf32, #tpu.memory_space<hbm>>) dst(%dma_wait3A_24 : memref<16x16xf32, #tpu.memory_space<vmem_shared>>)
        tpu.yield
      }) : () -> ()
    } else {
    }
    %barrier3A = arith.constant 0 : index
    tpu.barrier barrier_id(%barrier3A)
    %scan3A = arith.constant 0 : i32
    %scan3A_5 = arith.constant 80 : i32
    %scan3A_6 = arith.addi %scan3A, %scan3A_5 : i32
    %scan3A_7 = arith.constant 1 : i32
    scf.for %scan3A_18 = %scan3A to %scan3A_6 step %scan3A_7  : i32 {
      %mul3A_19 = arith.constant 1 : i32
      %mul3A_20 = arith.muli %scan3A_18, %mul3A_19 : i32
      %add3A_21 = arith.constant 0 : i32
      %add3A_22 = arith.addi %add3A_21, %mul3A_20 : i32
      "tpu.region"() ({
        %run_scoped3A = tpu.sem_alloc : memref<!tpu.dma_semaphore, #tpu.memory_space<semaphore_mem>>
        %dma_start3A = arith.constant 0 : i32
        %dma_start3A_23 = tpu.memref_slice %arg6[%add3A_22, %dma_start3A] : memref<80x125xi32, #tpu.memory_space<vmem>> -> memref<1x125xi32, #tpu.memory_space<vmem>>
        %dma_start3A_24 = tpu.memref_squeeze %dma_start3A_23 : memref<1x125xi32, #tpu.memory_space<vmem>> -> memref<125xi32, #tpu.memory_space<vmem>>
        %dma_start3A_25 = arith.constant 0 : i32
        %dma_start3A_26 = arith.constant 0 : i32
        %dma_start3A_27 = tpu.memref_slice %arg8[%dma_start3A_25, %dma_start3A_26] : memref<10000x16xf32, #tpu.memory_space<vmem_shared>> -> memref<10000x16xf32, #tpu.memory_space<vmem_shared>>
        tpu.enqueue_indirect_dma source(%arg7 : memref<125x16xf32, #tpu.memory_space<vmem>>) target(%dma_start3A_27 : memref<10000x16xf32, #tpu.memory_space<vmem_shared>>) offsets(%dma_start3A_24 : memref<125xi32, #tpu.memory_space<vmem>>) semaphore(%run_scoped3A : memref<!tpu.dma_semaphore, #tpu.memory_space<semaphore_mem>>) {add = true}
        %dma_wait3A = arith.constant 0 : i32
        %dma_wait3A_28 = tpu.memref_slice %arg6[%add3A_22, %dma_wait3A] : memref<80x125xi32, #tpu.memory_space<vmem>> -> memref<1x125xi32, #tpu.memory_space<vmem>>
        %dma_wait3A_29 = tpu.memref_squeeze %dma_wait3A_28 : memref<1x125xi32, #tpu.memory_space<vmem>> -> memref<125xi32, #tpu.memory_space<vmem>>
        %dma_wait3A_30 = arith.constant 0 : i32
        %dma_wait3A_31 = arith.constant 0 : i32
        %dma_wait3A_32 = tpu.memref_slice %arg8[%dma_wait3A_30, %dma_wait3A_31] : memref<10000x16xf32, #tpu.memory_space<vmem_shared>> -> memref<10000x16xf32, #tpu.memory_space<vmem_shared>>
        tpu.wait_indirect_dma semaphore(%run_scoped3A : memref<!tpu.dma_semaphore, #tpu.memory_space<semaphore_mem>>) src(%arg7 : memref<125x16xf32, #tpu.memory_space<vmem>>) dst(%dma_wait3A_32 : memref<10000x16xf32, #tpu.memory_space<vmem_shared>>)
        tpu.yield
      }) : () -> ()
    }
    %scan3A_8 = arith.constant 80 : i32
    %barrier3A_9 = arith.constant 0 : index
    tpu.barrier barrier_id(%barrier3A_9)
    %mul3A_10 = arith.constant 624 : i32
    %mul3A_11 = arith.muli %arg1, %mul3A_10 : i32
    %multiple_of3A_12 = tpu.assume_multiple %mul3A_11, 8 : i32
    "tpu.region"() ({
      %run_scoped3A = tpu.sem_alloc : memref<!tpu.dma_semaphore, #tpu.memory_space<semaphore_mem>>
      %dma_start3A = arith.constant 0 : i32
      %dma_start3A_18 = tpu.memref_slice %arg5[%arg0, %multiple_of3A_12, %dma_start3A] : memref<2x10000x16xf32, #tpu.memory_space<hbm>> -> memref<1x624x16xf32, #tpu.memory_space<hbm>>
      %dma_start3A_19 = tpu.memref_squeeze %dma_start3A_18 : memref<1x624x16xf32, #tpu.memory_space<hbm>> -> memref<624x16xf32, #tpu.memory_space<hbm>>
      %dma_start3A_20 = arith.constant 0 : i32
      %dma_start3A_21 = tpu.memref_slice %arg8[%multiple_of3A_12, %dma_start3A_20] : memref<10000x16xf32, #tpu.memory_space<vmem_shared>> -> memref<624x16xf32, #tpu.memory_space<vmem_shared>>
      tpu.enqueue_dma source(%dma_start3A_21 : memref<624x16xf32, #tpu.memory_space<vmem_shared>>) target(%dma_start3A_19 : memref<624x16xf32, #tpu.memory_space<hbm>>) target_semaphore(%run_scoped3A : memref<!tpu.dma_semaphore, #tpu.memory_space<semaphore_mem>>)
      %dma_wait3A = arith.constant 0 : i32
      %dma_wait3A_22 = tpu.memref_slice %arg5[%arg0, %multiple_of3A_12, %dma_wait3A] : memref<2x10000x16xf32, #tpu.memory_space<hbm>> -> memref<1x624x16xf32, #tpu.memory_space<hbm>>
      %dma_wait3A_23 = tpu.memref_squeeze %dma_wait3A_22 : memref<1x624x16xf32, #tpu.memory_space<hbm>> -> memref<624x16xf32, #tpu.memory_space<hbm>>
      %dma_wait3A_24 = arith.constant 0 : i32
      %dma_wait3A_25 = tpu.memref_slice %arg8[%multiple_of3A_12, %dma_wait3A_24] : memref<10000x16xf32, #tpu.memory_space<vmem_shared>> -> memref<624x16xf32, #tpu.memory_space<vmem_shared>>
      tpu.wait_dma2 semaphore(%run_scoped3A : memref<!tpu.dma_semaphore, #tpu.memory_space<semaphore_mem>>) src(%dma_wait3A_25 : memref<624x16xf32, #tpu.memory_space<vmem_shared>>) dst(%dma_wait3A_23 : memref<624x16xf32, #tpu.memory_space<hbm>>)
      tpu.yield
    }) : () -> ()
    %eq3A_13 = arith.constant 0 : i32
    %eq3A_14 = arith.cmpi eq, %arg1, %eq3A_13 : i32
    %convert_element_type3A_15 = arith.extui %eq3A_14 : i1 to i32
    %cond3A_16 = arith.constant 0 : i32
    %cond3A_17 = arith.cmpi ne, %convert_element_type3A_15, %cond3A_16 : i32
    scf.if %cond3A_17 {
      "tpu.region"() ({
        %run_scoped3A = tpu.sem_alloc : memref<!tpu.dma_semaphore, #tpu.memory_space<semaphore_mem>>
        %dma_start3A = arith.constant 9984 : i32
        %dma_start3A_18 = arith.constant 0 : i32
        %dma_start3A_19 = tpu.memref_slice %arg5[%arg0, %dma_start3A, %dma_start3A_18] : memref<2x10000x16xf32, #tpu.memory_space<hbm>> -> memref<1x16x16xf32, #tpu.memory_space<hbm>>
        %dma_start3A_20 = tpu.memref_squeeze %dma_start3A_19 : memref<1x16x16xf32, #tpu.memory_space<hbm>> -> memref<16x16xf32, #tpu.memory_space<hbm>>
        %dma_start3A_21 = arith.constant 9984 : i32
        %dma_start3A_22 = arith.constant 0 : i32
        %dma_start3A_23 = tpu.memref_slice %arg8[%dma_start3A_21, %dma_start3A_22] : memref<10000x16xf32, #tpu.memory_space<vmem_shared>> -> memref<16x16xf32, #tpu.memory_space<vmem_shared>>
        tpu.enqueue_dma source(%dma_start3A_23 : memref<16x16xf32, #tpu.memory_space<vmem_shared>>) target(%dma_start3A_20 : memref<16x16xf32, #tpu.memory_space<hbm>>) target_semaphore(%run_scoped3A : memref<!tpu.dma_semaphore, #tpu.memory_space<semaphore_mem>>)
        %dma_wait3A = arith.constant 9984 : i32
        %dma_wait3A_24 = arith.constant 0 : i32
        %dma_wait3A_25 = tpu.memref_slice %arg5[%arg0, %dma_wait3A, %dma_wait3A_24] : memref<2x10000x16xf32, #tpu.memory_space<hbm>> -> memref<1x16x16xf32, #tpu.memory_space<hbm>>
        %dma_wait3A_26 = tpu.memref_squeeze %dma_wait3A_25 : memref<1x16x16xf32, #tpu.memory_space<hbm>> -> memref<16x16xf32, #tpu.memory_space<hbm>>
        %dma_wait3A_27 = arith.constant 9984 : i32
        %dma_wait3A_28 = arith.constant 0 : i32
        %dma_wait3A_29 = tpu.memref_slice %arg8[%dma_wait3A_27, %dma_wait3A_28] : memref<10000x16xf32, #tpu.memory_space<vmem_shared>> -> memref<16x16xf32, #tpu.memory_space<vmem_shared>>
        tpu.wait_dma2 semaphore(%run_scoped3A : memref<!tpu.dma_semaphore, #tpu.memory_space<semaphore_mem>>) src(%dma_wait3A_29 : memref<16x16xf32, #tpu.memory_space<vmem_shared>>) dst(%dma_wait3A_26 : memref<16x16xf32, #tpu.memory_space<hbm>>)
        tpu.yield
      }) : () -> ()
    } else {
    }
    return
  }
}

#map = affine_map<(d0, d1) -> (0, 0)>
#map1 = affine_map<(d0, d1) -> (0, 0, 0)>
module attributes {stable_mosaic.version = 14 : i64} {
  func.func @_conv_kernel(%arg0: i32, %arg1: i32, %arg2: memref<10000x64xbf16, #tpu.memory_space<hbm>>, %arg3: memref<32x80x125xi32, #tpu.memory_space<hbm>>, %arg4: memref<32x80x125xi32, #tpu.memory_space<hbm>>, %arg5: memref<2x10000x64xbf16, #tpu.memory_space<hbm>>, %arg6: memref<80x125xi32, #tpu.memory_space<vmem>>, %arg7: memref<80x125xi32, #tpu.memory_space<vmem>>, %arg8: memref<2x125x64xbf16, #tpu.memory_space<vmem>>, %arg9: memref<10000x64xbf16, #tpu.memory_space<vmem_shared>>, %arg10: memref<2x!tpu.dma_semaphore, #tpu.memory_space<semaphore_mem>>) attributes {dimension_semantics = [#tpu.dimension_semantics<core_parallel>, #tpu.dimension_semantics<subcore_parallel>], iteration_bounds = array<i64: 2, 16>, scalar_prefetch = 0 : i64, scratch_operands = 5 : i64, tpu.core_type = #tpu.core_type<sc_vector_subcore>, window_params = [{transform_indices = #map}, {transform_indices = #map1}, {transform_indices = #map1}, {transform_indices = #map1}]} {
    %mul3A = arith.constant 2 : i32
    %mul3A_0 = arith.muli %arg1, %mul3A : i32
    %add3A = arith.addi %mul3A_0, %arg0 : i32
    "tpu.region"() ({
      %run_scoped3A = tpu.sem_alloc : memref<!tpu.dma_semaphore, #tpu.memory_space<semaphore_mem>>
      %dma_start3A_47 = arith.constant 0 : i32
      %dma_start3A_48 = arith.constant 0 : i32
      %dma_start3A_49 = tpu.memref_slice %arg3[%add3A, %dma_start3A_47, %dma_start3A_48] : memref<32x80x125xi32, #tpu.memory_space<hbm>> -> memref<1x80x125xi32, #tpu.memory_space<hbm>>
      %dma_start3A_50 = tpu.memref_squeeze %dma_start3A_49 : memref<1x80x125xi32, #tpu.memory_space<hbm>> -> memref<80x125xi32, #tpu.memory_space<hbm>>
      %dma_start3A_51 = arith.constant 0 : i32
      %dma_start3A_52 = arith.constant 0 : i32
      %dma_start3A_53 = tpu.memref_slice %arg3[%add3A, %dma_start3A_51, %dma_start3A_52] : memref<32x80x125xi32, #tpu.memory_space<hbm>> -> memref<1x80x125xi32, #tpu.memory_space<hbm>>
      %dma_start3A_54 = tpu.memref_squeeze %dma_start3A_53 : memref<1x80x125xi32, #tpu.memory_space<hbm>> -> memref<80x125xi32, #tpu.memory_space<hbm>>
      tpu.enqueue_dma source(%dma_start3A_54 : memref<80x125xi32, #tpu.memory_space<hbm>>) target(%arg6 : memref<80x125xi32, #tpu.memory_space<vmem>>) target_semaphore(%run_scoped3A : memref<!tpu.dma_semaphore, #tpu.memory_space<semaphore_mem>>)
      %dma_wait3A = arith.constant 0 : i32
      %dma_wait3A_55 = arith.constant 0 : i32
      %dma_wait3A_56 = tpu.memref_slice %arg3[%add3A, %dma_wait3A, %dma_wait3A_55] : memref<32x80x125xi32, #tpu.memory_space<hbm>> -> memref<1x80x125xi32, #tpu.memory_space<hbm>>
      %dma_wait3A_57 = tpu.memref_squeeze %dma_wait3A_56 : memref<1x80x125xi32, #tpu.memory_space<hbm>> -> memref<80x125xi32, #tpu.memory_space<hbm>>
      %dma_wait3A_58 = arith.constant 0 : i32
      %dma_wait3A_59 = arith.constant 0 : i32
      %dma_wait3A_60 = tpu.memref_slice %arg3[%add3A, %dma_wait3A_58, %dma_wait3A_59] : memref<32x80x125xi32, #tpu.memory_space<hbm>> -> memref<1x80x125xi32, #tpu.memory_space<hbm>>
      %dma_wait3A_61 = tpu.memref_squeeze %dma_wait3A_60 : memref<1x80x125xi32, #tpu.memory_space<hbm>> -> memref<80x125xi32, #tpu.memory_space<hbm>>
      tpu.wait_dma2 semaphore(%run_scoped3A : memref<!tpu.dma_semaphore, #tpu.memory_space<semaphore_mem>>) src(%dma_wait3A_61 : memref<80x125xi32, #tpu.memory_space<hbm>>) dst(%arg6 : memref<80x125xi32, #tpu.memory_space<vmem>>)
      tpu.yield
    }) : () -> ()
    "tpu.region"() ({
      %run_scoped3A = tpu.sem_alloc : memref<!tpu.dma_semaphore, #tpu.memory_space<semaphore_mem>>
      %dma_start3A_47 = arith.constant 0 : i32
      %dma_start3A_48 = arith.constant 0 : i32
      %dma_start3A_49 = tpu.memref_slice %arg4[%add3A, %dma_start3A_47, %dma_start3A_48] : memref<32x80x125xi32, #tpu.memory_space<hbm>> -> memref<1x80x125xi32, #tpu.memory_space<hbm>>
      %dma_start3A_50 = tpu.memref_squeeze %dma_start3A_49 : memref<1x80x125xi32, #tpu.memory_space<hbm>> -> memref<80x125xi32, #tpu.memory_space<hbm>>
      %dma_start3A_51 = arith.constant 0 : i32
      %dma_start3A_52 = arith.constant 0 : i32
      %dma_start3A_53 = tpu.memref_slice %arg4[%add3A, %dma_start3A_51, %dma_start3A_52] : memref<32x80x125xi32, #tpu.memory_space<hbm>> -> memref<1x80x125xi32, #tpu.memory_space<hbm>>
      %dma_start3A_54 = tpu.memref_squeeze %dma_start3A_53 : memref<1x80x125xi32, #tpu.memory_space<hbm>> -> memref<80x125xi32, #tpu.memory_space<hbm>>
      tpu.enqueue_dma source(%dma_start3A_54 : memref<80x125xi32, #tpu.memory_space<hbm>>) target(%arg7 : memref<80x125xi32, #tpu.memory_space<vmem>>) target_semaphore(%run_scoped3A : memref<!tpu.dma_semaphore, #tpu.memory_space<semaphore_mem>>)
      %dma_wait3A = arith.constant 0 : i32
      %dma_wait3A_55 = arith.constant 0 : i32
      %dma_wait3A_56 = tpu.memref_slice %arg4[%add3A, %dma_wait3A, %dma_wait3A_55] : memref<32x80x125xi32, #tpu.memory_space<hbm>> -> memref<1x80x125xi32, #tpu.memory_space<hbm>>
      %dma_wait3A_57 = tpu.memref_squeeze %dma_wait3A_56 : memref<1x80x125xi32, #tpu.memory_space<hbm>> -> memref<80x125xi32, #tpu.memory_space<hbm>>
      %dma_wait3A_58 = arith.constant 0 : i32
      %dma_wait3A_59 = arith.constant 0 : i32
      %dma_wait3A_60 = tpu.memref_slice %arg4[%add3A, %dma_wait3A_58, %dma_wait3A_59] : memref<32x80x125xi32, #tpu.memory_space<hbm>> -> memref<1x80x125xi32, #tpu.memory_space<hbm>>
      %dma_wait3A_61 = tpu.memref_squeeze %dma_wait3A_60 : memref<1x80x125xi32, #tpu.memory_space<hbm>> -> memref<80x125xi32, #tpu.memory_space<hbm>>
      tpu.wait_dma2 semaphore(%run_scoped3A : memref<!tpu.dma_semaphore, #tpu.memory_space<semaphore_mem>>) src(%dma_wait3A_61 : memref<80x125xi32, #tpu.memory_space<hbm>>) dst(%arg7 : memref<80x125xi32, #tpu.memory_space<vmem>>)
      tpu.yield
    }) : () -> ()
    %mul3A_1 = arith.constant 624 : i32
    %mul3A_2 = arith.muli %arg1, %mul3A_1 : i32
    %multiple_of3A = tpu.assume_multiple %mul3A_2, 8 : i32
    "tpu.region"() ({
      %run_scoped3A = tpu.sem_alloc : memref<!tpu.dma_semaphore, #tpu.memory_space<semaphore_mem>>
      %dma_start3A_47 = arith.constant 0 : i32
      %dma_start3A_48 = tpu.memref_slice %arg9[%multiple_of3A, %dma_start3A_47] : memref<10000x64xbf16, #tpu.memory_space<vmem_shared>> -> memref<624x64xbf16, #tpu.memory_space<vmem_shared>>
      %dma_start3A_49 = arith.constant 0 : i32
      %dma_start3A_50 = tpu.memref_slice %arg2[%multiple_of3A, %dma_start3A_49] : memref<10000x64xbf16, #tpu.memory_space<hbm>> -> memref<624x64xbf16, #tpu.memory_space<hbm>>
      tpu.enqueue_dma source(%dma_start3A_50 : memref<624x64xbf16, #tpu.memory_space<hbm>>) target(%dma_start3A_48 : memref<624x64xbf16, #tpu.memory_space<vmem_shared>>) target_semaphore(%run_scoped3A : memref<!tpu.dma_semaphore, #tpu.memory_space<semaphore_mem>>)
      %dma_wait3A = arith.constant 0 : i32
      %dma_wait3A_51 = tpu.memref_slice %arg9[%multiple_of3A, %dma_wait3A] : memref<10000x64xbf16, #tpu.memory_space<vmem_shared>> -> memref<624x64xbf16, #tpu.memory_space<vmem_shared>>
      %dma_wait3A_52 = arith.constant 0 : i32
      %dma_wait3A_53 = tpu.memref_slice %arg2[%multiple_of3A, %dma_wait3A_52] : memref<10000x64xbf16, #tpu.memory_space<hbm>> -> memref<624x64xbf16, #tpu.memory_space<hbm>>
      tpu.wait_dma2 semaphore(%run_scoped3A : memref<!tpu.dma_semaphore, #tpu.memory_space<semaphore_mem>>) src(%dma_wait3A_53 : memref<624x64xbf16, #tpu.memory_space<hbm>>) dst(%dma_wait3A_51 : memref<624x64xbf16, #tpu.memory_space<vmem_shared>>)
      tpu.yield
    }) : () -> ()
    %eq3A = arith.constant 0 : i32
    %eq3A_3 = arith.cmpi eq, %arg1, %eq3A : i32
    %convert_element_type3A = arith.extui %eq3A_3 : i1 to i32
    %cond3A = arith.constant 0 : i32
    %cond3A_4 = arith.cmpi ne, %convert_element_type3A, %cond3A : i32
    scf.if %cond3A_4 {
      "tpu.region"() ({
        %run_scoped3A = tpu.sem_alloc : memref<!tpu.dma_semaphore, #tpu.memory_space<semaphore_mem>>
        %dma_start3A_47 = arith.constant 9984 : i32
        %dma_start3A_48 = arith.constant 0 : i32
        %dma_start3A_49 = tpu.memref_slice %arg9[%dma_start3A_47, %dma_start3A_48] : memref<10000x64xbf16, #tpu.memory_space<vmem_shared>> -> memref<16x64xbf16, #tpu.memory_space<vmem_shared>>
        %dma_start3A_50 = arith.constant 9984 : i32
        %dma_start3A_51 = arith.constant 0 : i32
        %dma_start3A_52 = tpu.memref_slice %arg2[%dma_start3A_50, %dma_start3A_51] : memref<10000x64xbf16, #tpu.memory_space<hbm>> -> memref<16x64xbf16, #tpu.memory_space<hbm>>
        tpu.enqueue_dma source(%dma_start3A_52 : memref<16x64xbf16, #tpu.memory_space<hbm>>) target(%dma_start3A_49 : memref<16x64xbf16, #tpu.memory_space<vmem_shared>>) target_semaphore(%run_scoped3A : memref<!tpu.dma_semaphore, #tpu.memory_space<semaphore_mem>>)
        %dma_wait3A = arith.constant 9984 : i32
        %dma_wait3A_53 = arith.constant 0 : i32
        %dma_wait3A_54 = tpu.memref_slice %arg9[%dma_wait3A, %dma_wait3A_53] : memref<10000x64xbf16, #tpu.memory_space<vmem_shared>> -> memref<16x64xbf16, #tpu.memory_space<vmem_shared>>
        %dma_wait3A_55 = arith.constant 9984 : i32
        %dma_wait3A_56 = arith.constant 0 : i32
        %dma_wait3A_57 = tpu.memref_slice %arg2[%dma_wait3A_55, %dma_wait3A_56] : memref<10000x64xbf16, #tpu.memory_space<hbm>> -> memref<16x64xbf16, #tpu.memory_space<hbm>>
        tpu.wait_dma2 semaphore(%run_scoped3A : memref<!tpu.dma_semaphore, #tpu.memory_space<semaphore_mem>>) src(%dma_wait3A_57 : memref<16x64xbf16, #tpu.memory_space<hbm>>) dst(%dma_wait3A_54 : memref<16x64xbf16, #tpu.memory_space<vmem_shared>>)
        tpu.yield
      }) : () -> ()
    } else {
    }
    %barrier3A = arith.constant 0 : index
    tpu.barrier barrier_id(%barrier3A)
    %dma_start3A = arith.constant 0 : i32
    %dma_start3A_5 = arith.constant 0 : i32
    %dma_start3A_6 = arith.constant 0 : i32
    %dma_start3A_7 = arith.constant 0 : i32
    %dma_start3A_8 = arith.constant 0 : i32
    %dma_start3A_9 = tpu.memref_slice %arg8[%dma_start3A_5, %dma_start3A_7, %dma_start3A_8] : memref<2x125x64xbf16, #tpu.memory_space<vmem>> -> memref<1x125x64xbf16, #tpu.memory_space<vmem>>
    %dma_start3A_10 = tpu.memref_squeeze %dma_start3A_9 : memref<1x125x64xbf16, #tpu.memory_space<vmem>> -> memref<125x64xbf16, #tpu.memory_space<vmem>>
    %dma_start3A_11 = arith.constant 0 : i32
    %dma_start3A_12 = tpu.memref_slice %arg6[%dma_start3A, %dma_start3A_11] : memref<80x125xi32, #tpu.memory_space<vmem>> -> memref<1x125xi32, #tpu.memory_space<vmem>>
    %dma_start3A_13 = tpu.memref_squeeze %dma_start3A_12 : memref<1x125xi32, #tpu.memory_space<vmem>> -> memref<125xi32, #tpu.memory_space<vmem>>
    %dma_start3A_14 = arith.constant 0 : i32
    %dma_start3A_15 = arith.constant 0 : i32
    %dma_start3A_16 = tpu.memref_slice %arg2[%dma_start3A_14, %dma_start3A_15] : memref<10000x64xbf16, #tpu.memory_space<hbm>> -> memref<10000x64xbf16, #tpu.memory_space<hbm>>
    %dma_start3A_17 = tpu.memref_slice %arg10[%dma_start3A_6] : memref<2x!tpu.dma_semaphore, #tpu.memory_space<semaphore_mem>> -> memref<1x!tpu.dma_semaphore, #tpu.memory_space<semaphore_mem>>
    %dma_start3A_18 = tpu.memref_squeeze %dma_start3A_17 : memref<1x!tpu.dma_semaphore, #tpu.memory_space<semaphore_mem>> -> memref<!tpu.dma_semaphore, #tpu.memory_space<semaphore_mem>>
    tpu.enqueue_indirect_dma source(%dma_start3A_16 : memref<10000x64xbf16, #tpu.memory_space<hbm>>) target(%dma_start3A_10 : memref<125x64xbf16, #tpu.memory_space<vmem>>) offsets(%dma_start3A_13 : memref<125xi32, #tpu.memory_space<vmem>>) semaphore(%dma_start3A_18 : memref<!tpu.dma_semaphore, #tpu.memory_space<semaphore_mem>>)
    %dma_start3A_19 = arith.constant 1 : i32
    %dma_start3A_20 = arith.constant 1 : i32
    %dma_start3A_21 = arith.constant 1 : i32
    %dma_start3A_22 = arith.constant 0 : i32
    %dma_start3A_23 = arith.constant 0 : i32
    %dma_start3A_24 = tpu.memref_slice %arg8[%dma_start3A_20, %dma_start3A_22, %dma_start3A_23] : memref<2x125x64xbf16, #tpu.memory_space<vmem>> -> memref<1x125x64xbf16, #tpu.memory_space<vmem>>
    %dma_start3A_25 = tpu.memref_squeeze %dma_start3A_24 : memref<1x125x64xbf16, #tpu.memory_space<vmem>> -> memref<125x64xbf16, #tpu.memory_space<vmem>>
    %dma_start3A_26 = arith.constant 0 : i32
    %dma_start3A_27 = tpu.memref_slice %arg6[%dma_start3A_19, %dma_start3A_26] : memref<80x125xi32, #tpu.memory_space<vmem>> -> memref<1x125xi32, #tpu.memory_space<vmem>>
    %dma_start3A_28 = tpu.memref_squeeze %dma_start3A_27 : memref<1x125xi32, #tpu.memory_space<vmem>> -> memref<125xi32, #tpu.memory_space<vmem>>
    %dma_start3A_29 = arith.constant 0 : i32
    %dma_start3A_30 = arith.constant 0 : i32
    %dma_start3A_31 = tpu.memref_slice %arg2[%dma_start3A_29, %dma_start3A_30] : memref<10000x64xbf16, #tpu.memory_space<hbm>> -> memref<10000x64xbf16, #tpu.memory_space<hbm>>
    %dma_start3A_32 = tpu.memref_slice %arg10[%dma_start3A_21] : memref<2x!tpu.dma_semaphore, #tpu.memory_space<semaphore_mem>> -> memref<1x!tpu.dma_semaphore, #tpu.memory_space<semaphore_mem>>
    %dma_start3A_33 = tpu.memref_squeeze %dma_start3A_32 : memref<1x!tpu.dma_semaphore, #tpu.memory_space<semaphore_mem>> -> memref<!tpu.dma_semaphore, #tpu.memory_space<semaphore_mem>>
    tpu.enqueue_indirect_dma source(%dma_start3A_31 : memref<10000x64xbf16, #tpu.memory_space<hbm>>) target(%dma_start3A_25 : memref<125x64xbf16, #tpu.memory_space<vmem>>) offsets(%dma_start3A_28 : memref<125xi32, #tpu.memory_space<vmem>>) semaphore(%dma_start3A_33 : memref<!tpu.dma_semaphore, #tpu.memory_space<semaphore_mem>>)
    %scan3A = arith.constant 0 : i32
    %scan3A_34 = arith.constant 40 : i32
    %scan3A_35 = arith.addi %scan3A, %scan3A_34 : i32
    %scan3A_36 = arith.constant 1 : i32
    scf.for %scan3A_47 = %scan3A to %scan3A_35 step %scan3A_36  : i32 {
      %mul3A_48 = arith.constant 2 : i32
      %mul3A_49 = arith.muli %scan3A_47, %mul3A_48 : i32
      %add3A_50 = arith.constant 0 : i32
      %add3A_51 = arith.addi %add3A_50, %mul3A_49 : i32
      %add3A_52 = arith.constant 0 : i32
      %add3A_53 = arith.addi %add3A_51, %add3A_52 : i32
      %dma_wait3A = arith.constant 0 : i32
      %dma_wait3A_54 = arith.constant 0 : i32
      %dma_wait3A_55 = arith.constant 0 : i32
      %dma_wait3A_56 = arith.constant 0 : i32
      %dma_wait3A_57 = tpu.memref_slice %arg8[%dma_wait3A, %dma_wait3A_55, %dma_wait3A_56] : memref<2x125x64xbf16, #tpu.memory_space<vmem>> -> memref<1x125x64xbf16, #tpu.memory_space<vmem>>
      %dma_wait3A_58 = tpu.memref_squeeze %dma_wait3A_57 : memref<1x125x64xbf16, #tpu.memory_space<vmem>> -> memref<125x64xbf16, #tpu.memory_space<vmem>>
      %dma_wait3A_59 = arith.constant 0 : i32
      %dma_wait3A_60 = tpu.memref_slice %arg6[%add3A_53, %dma_wait3A_59] : memref<80x125xi32, #tpu.memory_space<vmem>> -> memref<1x125xi32, #tpu.memory_space<vmem>>
      %dma_wait3A_61 = tpu.memref_squeeze %dma_wait3A_60 : memref<1x125xi32, #tpu.memory_space<vmem>> -> memref<125xi32, #tpu.memory_space<vmem>>
      %dma_wait3A_62 = arith.constant 0 : i32
      %dma_wait3A_63 = arith.constant 0 : i32
      %dma_wait3A_64 = tpu.memref_slice %arg2[%dma_wait3A_62, %dma_wait3A_63] : memref<10000x64xbf16, #tpu.memory_space<hbm>> -> memref<10000x64xbf16, #tpu.memory_space<hbm>>
      %dma_wait3A_65 = tpu.memref_slice %arg10[%dma_wait3A_54] : memref<2x!tpu.dma_semaphore, #tpu.memory_space<semaphore_mem>> -> memref<1x!tpu.dma_semaphore, #tpu.memory_space<semaphore_mem>>
      %dma_wait3A_66 = tpu.memref_squeeze %dma_wait3A_65 : memref<1x!tpu.dma_semaphore, #tpu.memory_space<semaphore_mem>> -> memref<!tpu.dma_semaphore, #tpu.memory_space<semaphore_mem>>
      tpu.wait_indirect_dma semaphore(%dma_wait3A_66 : memref<!tpu.dma_semaphore, #tpu.memory_space<semaphore_mem>>) src(%dma_wait3A_64 : memref<10000x64xbf16, #tpu.memory_space<hbm>>) dst(%dma_wait3A_58 : memref<125x64xbf16, #tpu.memory_space<vmem>>)
      %run_scoped3A = arith.constant 0 : i32
      "tpu.region"() ({
        %run_scoped3A_97 = tpu.sem_alloc : memref<!tpu.dma_semaphore, #tpu.memory_space<semaphore_mem>>
        %dma_start3A_98 = arith.constant 0 : i32
        %dma_start3A_99 = arith.constant 0 : i32
        %dma_start3A_100 = tpu.memref_slice %arg8[%run_scoped3A, %dma_start3A_98, %dma_start3A_99] : memref<2x125x64xbf16, #tpu.memory_space<vmem>> -> memref<1x125x64xbf16, #tpu.memory_space<vmem>>
        %dma_start3A_101 = tpu.memref_squeeze %dma_start3A_100 : memref<1x125x64xbf16, #tpu.memory_space<vmem>> -> memref<125x64xbf16, #tpu.memory_space<vmem>>
        %dma_start3A_102 = arith.constant 0 : i32
        %dma_start3A_103 = tpu.memref_slice %arg7[%add3A_53, %dma_start3A_102] : memref<80x125xi32, #tpu.memory_space<vmem>> -> memref<1x125xi32, #tpu.memory_space<vmem>>
        %dma_start3A_104 = tpu.memref_squeeze %dma_start3A_103 : memref<1x125xi32, #tpu.memory_space<vmem>> -> memref<125xi32, #tpu.memory_space<vmem>>
        %dma_start3A_105 = arith.constant 0 : i32
        %dma_start3A_106 = arith.constant 0 : i32
        %dma_start3A_107 = tpu.memref_slice %arg9[%dma_start3A_105, %dma_start3A_106] : memref<10000x64xbf16, #tpu.memory_space<vmem_shared>> -> memref<10000x64xbf16, #tpu.memory_space<vmem_shared>>
        tpu.enqueue_indirect_dma source(%dma_start3A_101 : memref<125x64xbf16, #tpu.memory_space<vmem>>) target(%dma_start3A_107 : memref<10000x64xbf16, #tpu.memory_space<vmem_shared>>) offsets(%dma_start3A_104 : memref<125xi32, #tpu.memory_space<vmem>>) semaphore(%run_scoped3A_97 : memref<!tpu.dma_semaphore, #tpu.memory_space<semaphore_mem>>) {add = true}
        %dma_wait3A_108 = arith.constant 0 : i32
        %dma_wait3A_109 = arith.constant 0 : i32
        %dma_wait3A_110 = tpu.memref_slice %arg8[%run_scoped3A, %dma_wait3A_108, %dma_wait3A_109] : memref<2x125x64xbf16, #tpu.memory_space<vmem>> -> memref<1x125x64xbf16, #tpu.memory_space<vmem>>
        %dma_wait3A_111 = tpu.memref_squeeze %dma_wait3A_110 : memref<1x125x64xbf16, #tpu.memory_space<vmem>> -> memref<125x64xbf16, #tpu.memory_space<vmem>>
        %dma_wait3A_112 = arith.constant 0 : i32
        %dma_wait3A_113 = tpu.memref_slice %arg7[%add3A_53, %dma_wait3A_112] : memref<80x125xi32, #tpu.memory_space<vmem>> -> memref<1x125xi32, #tpu.memory_space<vmem>>
        %dma_wait3A_114 = tpu.memref_squeeze %dma_wait3A_113 : memref<1x125xi32, #tpu.memory_space<vmem>> -> memref<125xi32, #tpu.memory_space<vmem>>
        %dma_wait3A_115 = arith.constant 0 : i32
        %dma_wait3A_116 = arith.constant 0 : i32
        %dma_wait3A_117 = tpu.memref_slice %arg9[%dma_wait3A_115, %dma_wait3A_116] : memref<10000x64xbf16, #tpu.memory_space<vmem_shared>> -> memref<10000x64xbf16, #tpu.memory_space<vmem_shared>>
        tpu.wait_indirect_dma semaphore(%run_scoped3A_97 : memref<!tpu.dma_semaphore, #tpu.memory_space<semaphore_mem>>) src(%dma_wait3A_111 : memref<125x64xbf16, #tpu.memory_space<vmem>>) dst(%dma_wait3A_117 : memref<10000x64xbf16, #tpu.memory_space<vmem_shared>>)
        tpu.yield
      }) : () -> ()
      %add3A_67 = arith.constant 2 : i32
      %add3A_68 = arith.addi %add3A_53, %add3A_67 : i32
      %lt3A = arith.constant 80 : i32
      %lt3A_69 = arith.cmpi slt, %add3A_68, %lt3A : i32
      %convert_element_type3A_70 = arith.extui %lt3A_69 : i1 to i32
      %cond3A_71 = arith.constant 0 : i32
      %cond3A_72 = arith.cmpi ne, %convert_element_type3A_70, %cond3A_71 : i32
      scf.if %cond3A_72 {
        %add3A_97 = arith.constant 2 : i32
        %add3A_98 = arith.addi %add3A_53, %add3A_97 : i32
        %dma_start3A_99 = arith.constant 0 : i32
        %dma_start3A_100 = arith.constant 0 : i32
        %dma_start3A_101 = arith.constant 0 : i32
        %dma_start3A_102 = arith.constant 0 : i32
        %dma_start3A_103 = tpu.memref_slice %arg8[%dma_start3A_99, %dma_start3A_101, %dma_start3A_102] : memref<2x125x64xbf16, #tpu.memory_space<vmem>> -> memref<1x125x64xbf16, #tpu.memory_space<vmem>>
        %dma_start3A_104 = tpu.memref_squeeze %dma_start3A_103 : memref<1x125x64xbf16, #tpu.memory_space<vmem>> -> memref<125x64xbf16, #tpu.memory_space<vmem>>
        %dma_start3A_105 = arith.constant 0 : i32
        %dma_start3A_106 = tpu.memref_slice %arg6[%add3A_98, %dma_start3A_105] : memref<80x125xi32, #tpu.memory_space<vmem>> -> memref<1x125xi32, #tpu.memory_space<vmem>>
        %dma_start3A_107 = tpu.memref_squeeze %dma_start3A_106 : memref<1x125xi32, #tpu.memory_space<vmem>> -> memref<125xi32, #tpu.memory_space<vmem>>
        %dma_start3A_108 = arith.constant 0 : i32
        %dma_start3A_109 = arith.constant 0 : i32
        %dma_start3A_110 = tpu.memref_slice %arg2[%dma_start3A_108, %dma_start3A_109] : memref<10000x64xbf16, #tpu.memory_space<hbm>> -> memref<10000x64xbf16, #tpu.memory_space<hbm>>
        %dma_start3A_111 = tpu.memref_slice %arg10[%dma_start3A_100] : memref<2x!tpu.dma_semaphore, #tpu.memory_space<semaphore_mem>> -> memref<1x!tpu.dma_semaphore, #tpu.memory_space<semaphore_mem>>
        %dma_start3A_112 = tpu.memref_squeeze %dma_start3A_111 : memref<1x!tpu.dma_semaphore, #tpu.memory_space<semaphore_mem>> -> memref<!tpu.dma_semaphore, #tpu.memory_space<semaphore_mem>>
        tpu.enqueue_indirect_dma source(%dma_start3A_110 : memref<10000x64xbf16, #tpu.memory_space<hbm>>) target(%dma_start3A_104 : memref<125x64xbf16, #tpu.memory_space<vmem>>) offsets(%dma_start3A_107 : memref<125xi32, #tpu.memory_space<vmem>>) semaphore(%dma_start3A_112 : memref<!tpu.dma_semaphore, #tpu.memory_space<semaphore_mem>>)
      } else {
      }
      %add3A_73 = arith.constant 1 : i32
      %add3A_74 = arith.addi %add3A_51, %add3A_73 : i32
      %dma_wait3A_75 = arith.constant 1 : i32
      %dma_wait3A_76 = arith.constant 1 : i32
      %dma_wait3A_77 = arith.constant 0 : i32
      %dma_wait3A_78 = arith.constant 0 : i32
      %dma_wait3A_79 = tpu.memref_slice %arg8[%dma_wait3A_75, %dma_wait3A_77, %dma_wait3A_78] : memref<2x125x64xbf16, #tpu.memory_space<vmem>> -> memref<1x125x64xbf16, #tpu.memory_space<vmem>>
      %dma_wait3A_80 = tpu.memref_squeeze %dma_wait3A_79 : memref<1x125x64xbf16, #tpu.memory_space<vmem>> -> memref<125x64xbf16, #tpu.memory_space<vmem>>
      %dma_wait3A_81 = arith.constant 0 : i32
      %dma_wait3A_82 = tpu.memref_slice %arg6[%add3A_74, %dma_wait3A_81] : memref<80x125xi32, #tpu.memory_space<vmem>> -> memref<1x125xi32, #tpu.memory_space<vmem>>
      %dma_wait3A_83 = tpu.memref_squeeze %dma_wait3A_82 : memref<1x125xi32, #tpu.memory_space<vmem>> -> memref<125xi32, #tpu.memory_space<vmem>>
      %dma_wait3A_84 = arith.constant 0 : i32
      %dma_wait3A_85 = arith.constant 0 : i32
      %dma_wait3A_86 = tpu.memref_slice %arg2[%dma_wait3A_84, %dma_wait3A_85] : memref<10000x64xbf16, #tpu.memory_space<hbm>> -> memref<10000x64xbf16, #tpu.memory_space<hbm>>
      %dma_wait3A_87 = tpu.memref_slice %arg10[%dma_wait3A_76] : memref<2x!tpu.dma_semaphore, #tpu.memory_space<semaphore_mem>> -> memref<1x!tpu.dma_semaphore, #tpu.memory_space<semaphore_mem>>
      %dma_wait3A_88 = tpu.memref_squeeze %dma_wait3A_87 : memref<1x!tpu.dma_semaphore, #tpu.memory_space<semaphore_mem>> -> memref<!tpu.dma_semaphore, #tpu.memory_space<semaphore_mem>>
      tpu.wait_indirect_dma semaphore(%dma_wait3A_88 : memref<!tpu.dma_semaphore, #tpu.memory_space<semaphore_mem>>) src(%dma_wait3A_86 : memref<10000x64xbf16, #tpu.memory_space<hbm>>) dst(%dma_wait3A_80 : memref<125x64xbf16, #tpu.memory_space<vmem>>)
      %run_scoped3A_89 = arith.constant 1 : i32
      "tpu.region"() ({
        %run_scoped3A_97 = tpu.sem_alloc : memref<!tpu.dma_semaphore, #tpu.memory_space<semaphore_mem>>
        %dma_start3A_98 = arith.constant 0 : i32
        %dma_start3A_99 = arith.constant 0 : i32
        %dma_start3A_100 = tpu.memref_slice %arg8[%run_scoped3A_89, %dma_start3A_98, %dma_start3A_99] : memref<2x125x64xbf16, #tpu.memory_space<vmem>> -> memref<1x125x64xbf16, #tpu.memory_space<vmem>>
        %dma_start3A_101 = tpu.memref_squeeze %dma_start3A_100 : memref<1x125x64xbf16, #tpu.memory_space<vmem>> -> memref<125x64xbf16, #tpu.memory_space<vmem>>
        %dma_start3A_102 = arith.constant 0 : i32
        %dma_start3A_103 = tpu.memref_slice %arg7[%add3A_74, %dma_start3A_102] : memref<80x125xi32, #tpu.memory_space<vmem>> -> memref<1x125xi32, #tpu.memory_space<vmem>>
        %dma_start3A_104 = tpu.memref_squeeze %dma_start3A_103 : memref<1x125xi32, #tpu.memory_space<vmem>> -> memref<125xi32, #tpu.memory_space<vmem>>
        %dma_start3A_105 = arith.constant 0 : i32
        %dma_start3A_106 = arith.constant 0 : i32
        %dma_start3A_107 = tpu.memref_slice %arg9[%dma_start3A_105, %dma_start3A_106] : memref<10000x64xbf16, #tpu.memory_space<vmem_shared>> -> memref<10000x64xbf16, #tpu.memory_space<vmem_shared>>
        tpu.enqueue_indirect_dma source(%dma_start3A_101 : memref<125x64xbf16, #tpu.memory_space<vmem>>) target(%dma_start3A_107 : memref<10000x64xbf16, #tpu.memory_space<vmem_shared>>) offsets(%dma_start3A_104 : memref<125xi32, #tpu.memory_space<vmem>>) semaphore(%run_scoped3A_97 : memref<!tpu.dma_semaphore, #tpu.memory_space<semaphore_mem>>) {add = true}
        %dma_wait3A_108 = arith.constant 0 : i32
        %dma_wait3A_109 = arith.constant 0 : i32
        %dma_wait3A_110 = tpu.memref_slice %arg8[%run_scoped3A_89, %dma_wait3A_108, %dma_wait3A_109] : memref<2x125x64xbf16, #tpu.memory_space<vmem>> -> memref<1x125x64xbf16, #tpu.memory_space<vmem>>
        %dma_wait3A_111 = tpu.memref_squeeze %dma_wait3A_110 : memref<1x125x64xbf16, #tpu.memory_space<vmem>> -> memref<125x64xbf16, #tpu.memory_space<vmem>>
        %dma_wait3A_112 = arith.constant 0 : i32
        %dma_wait3A_113 = tpu.memref_slice %arg7[%add3A_74, %dma_wait3A_112] : memref<80x125xi32, #tpu.memory_space<vmem>> -> memref<1x125xi32, #tpu.memory_space<vmem>>
        %dma_wait3A_114 = tpu.memref_squeeze %dma_wait3A_113 : memref<1x125xi32, #tpu.memory_space<vmem>> -> memref<125xi32, #tpu.memory_space<vmem>>
        %dma_wait3A_115 = arith.constant 0 : i32
        %dma_wait3A_116 = arith.constant 0 : i32
        %dma_wait3A_117 = tpu.memref_slice %arg9[%dma_wait3A_115, %dma_wait3A_116] : memref<10000x64xbf16, #tpu.memory_space<vmem_shared>> -> memref<10000x64xbf16, #tpu.memory_space<vmem_shared>>
        tpu.wait_indirect_dma semaphore(%run_scoped3A_97 : memref<!tpu.dma_semaphore, #tpu.memory_space<semaphore_mem>>) src(%dma_wait3A_111 : memref<125x64xbf16, #tpu.memory_space<vmem>>) dst(%dma_wait3A_117 : memref<10000x64xbf16, #tpu.memory_space<vmem_shared>>)
        tpu.yield
      }) : () -> ()
      %add3A_90 = arith.constant 2 : i32
      %add3A_91 = arith.addi %add3A_74, %add3A_90 : i32
      %lt3A_92 = arith.constant 80 : i32
      %lt3A_93 = arith.cmpi slt, %add3A_91, %lt3A_92 : i32
      %convert_element_type3A_94 = arith.extui %lt3A_93 : i1 to i32
      %cond3A_95 = arith.constant 0 : i32
      %cond3A_96 = arith.cmpi ne, %convert_element_type3A_94, %cond3A_95 : i32
      scf.if %cond3A_96 {
        %add3A_97 = arith.constant 2 : i32
        %add3A_98 = arith.addi %add3A_74, %add3A_97 : i32
        %dma_start3A_99 = arith.constant 1 : i32
        %dma_start3A_100 = arith.constant 1 : i32
        %dma_start3A_101 = arith.constant 0 : i32
        %dma_start3A_102 = arith.constant 0 : i32
        %dma_start3A_103 = tpu.memref_slice %arg8[%dma_start3A_99, %dma_start3A_101, %dma_start3A_102] : memref<2x125x64xbf16, #tpu.memory_space<vmem>> -> memref<1x125x64xbf16, #tpu.memory_space<vmem>>
        %dma_start3A_104 = tpu.memref_squeeze %dma_start3A_103 : memref<1x125x64xbf16, #tpu.memory_space<vmem>> -> memref<125x64xbf16, #tpu.memory_space<vmem>>
        %dma_start3A_105 = arith.constant 0 : i32
        %dma_start3A_106 = tpu.memref_slice %arg6[%add3A_98, %dma_start3A_105] : memref<80x125xi32, #tpu.memory_space<vmem>> -> memref<1x125xi32, #tpu.memory_space<vmem>>
        %dma_start3A_107 = tpu.memref_squeeze %dma_start3A_106 : memref<1x125xi32, #tpu.memory_space<vmem>> -> memref<125xi32, #tpu.memory_space<vmem>>
        %dma_start3A_108 = arith.constant 0 : i32
        %dma_start3A_109 = arith.constant 0 : i32
        %dma_start3A_110 = tpu.memref_slice %arg2[%dma_start3A_108, %dma_start3A_109] : memref<10000x64xbf16, #tpu.memory_space<hbm>> -> memref<10000x64xbf16, #tpu.memory_space<hbm>>
        %dma_start3A_111 = tpu.memref_slice %arg10[%dma_start3A_100] : memref<2x!tpu.dma_semaphore, #tpu.memory_space<semaphore_mem>> -> memref<1x!tpu.dma_semaphore, #tpu.memory_space<semaphore_mem>>
        %dma_start3A_112 = tpu.memref_squeeze %dma_start3A_111 : memref<1x!tpu.dma_semaphore, #tpu.memory_space<semaphore_mem>> -> memref<!tpu.dma_semaphore, #tpu.memory_space<semaphore_mem>>
        tpu.enqueue_indirect_dma source(%dma_start3A_110 : memref<10000x64xbf16, #tpu.memory_space<hbm>>) target(%dma_start3A_104 : memref<125x64xbf16, #tpu.memory_space<vmem>>) offsets(%dma_start3A_107 : memref<125xi32, #tpu.memory_space<vmem>>) semaphore(%dma_start3A_112 : memref<!tpu.dma_semaphore, #tpu.memory_space<semaphore_mem>>)
      } else {
      }
    }
    %scan3A_37 = arith.constant 40 : i32
    %barrier3A_38 = arith.constant 0 : index
    tpu.barrier barrier_id(%barrier3A_38)
    %mul3A_39 = arith.constant 624 : i32
    %mul3A_40 = arith.muli %arg1, %mul3A_39 : i32
    %multiple_of3A_41 = tpu.assume_multiple %mul3A_40, 8 : i32
    "tpu.region"() ({
      %run_scoped3A = tpu.sem_alloc : memref<!tpu.dma_semaphore, #tpu.memory_space<semaphore_mem>>
      %dma_start3A_47 = arith.constant 0 : i32
      %dma_start3A_48 = tpu.memref_slice %arg5[%arg0, %multiple_of3A_41, %dma_start3A_47] : memref<2x10000x64xbf16, #tpu.memory_space<hbm>> -> memref<1x624x64xbf16, #tpu.memory_space<hbm>>
      %dma_start3A_49 = tpu.memref_squeeze %dma_start3A_48 : memref<1x624x64xbf16, #tpu.memory_space<hbm>> -> memref<624x64xbf16, #tpu.memory_space<hbm>>
      %dma_start3A_50 = arith.constant 0 : i32
      %dma_start3A_51 = tpu.memref_slice %arg9[%multiple_of3A_41, %dma_start3A_50] : memref<10000x64xbf16, #tpu.memory_space<vmem_shared>> -> memref<624x64xbf16, #tpu.memory_space<vmem_shared>>
      tpu.enqueue_dma source(%dma_start3A_51 : memref<624x64xbf16, #tpu.memory_space<vmem_shared>>) target(%dma_start3A_49 : memref<624x64xbf16, #tpu.memory_space<hbm>>) target_semaphore(%run_scoped3A : memref<!tpu.dma_semaphore, #tpu.memory_space<semaphore_mem>>)
      %dma_wait3A = arith.constant 0 : i32
      %dma_wait3A_52 = tpu.memref_slice %arg5[%arg0, %multiple_of3A_41, %dma_wait3A] : memref<2x10000x64xbf16, #tpu.memory_space<hbm>> -> memref<1x624x64xbf16, #tpu.memory_space<hbm>>
      %dma_wait3A_53 = tpu.memref_squeeze %dma_wait3A_52 : memref<1x624x64xbf16, #tpu.memory_space<hbm>> -> memref<624x64xbf16, #tpu.memory_space<hbm>>
      %dma_wait3A_54 = arith.constant 0 : i32
      %dma_wait3A_55 = tpu.memref_slice %arg9[%multiple_of3A_41, %dma_wait3A_54] : memref<10000x64xbf16, #tpu.memory_space<vmem_shared>> -> memref<624x64xbf16, #tpu.memory_space<vmem_shared>>
      tpu.wait_dma2 semaphore(%run_scoped3A : memref<!tpu.dma_semaphore, #tpu.memory_space<semaphore_mem>>) src(%dma_wait3A_55 : memref<624x64xbf16, #tpu.memory_space<vmem_shared>>) dst(%dma_wait3A_53 : memref<624x64xbf16, #tpu.memory_space<hbm>>)
      tpu.yield
    }) : () -> ()
    %eq3A_42 = arith.constant 0 : i32
    %eq3A_43 = arith.cmpi eq, %arg1, %eq3A_42 : i32
    %convert_element_type3A_44 = arith.extui %eq3A_43 : i1 to i32
    %cond3A_45 = arith.constant 0 : i32
    %cond3A_46 = arith.cmpi ne, %convert_element_type3A_44, %cond3A_45 : i32
    scf.if %cond3A_46 {
      "tpu.region"() ({
        %run_scoped3A = tpu.sem_alloc : memref<!tpu.dma_semaphore, #tpu.memory_space<semaphore_mem>>
        %dma_start3A_47 = arith.constant 9984 : i32
        %dma_start3A_48 = arith.constant 0 : i32
        %dma_start3A_49 = tpu.memref_slice %arg5[%arg0, %dma_start3A_47, %dma_start3A_48] : memref<2x10000x64xbf16, #tpu.memory_space<hbm>> -> memref<1x16x64xbf16, #tpu.memory_space<hbm>>
        %dma_start3A_50 = tpu.memref_squeeze %dma_start3A_49 : memref<1x16x64xbf16, #tpu.memory_space<hbm>> -> memref<16x64xbf16, #tpu.memory_space<hbm>>
        %dma_start3A_51 = arith.constant 9984 : i32
        %dma_start3A_52 = arith.constant 0 : i32
        %dma_start3A_53 = tpu.memref_slice %arg9[%dma_start3A_51, %dma_start3A_52] : memref<10000x64xbf16, #tpu.memory_space<vmem_shared>> -> memref<16x64xbf16, #tpu.memory_space<vmem_shared>>
        tpu.enqueue_dma source(%dma_start3A_53 : memref<16x64xbf16, #tpu.memory_space<vmem_shared>>) target(%dma_start3A_50 : memref<16x64xbf16, #tpu.memory_space<hbm>>) target_semaphore(%run_scoped3A : memref<!tpu.dma_semaphore, #tpu.memory_space<semaphore_mem>>)
        %dma_wait3A = arith.constant 9984 : i32
        %dma_wait3A_54 = arith.constant 0 : i32
        %dma_wait3A_55 = tpu.memref_slice %arg5[%arg0, %dma_wait3A, %dma_wait3A_54] : memref<2x10000x64xbf16, #tpu.memory_space<hbm>> -> memref<1x16x64xbf16, #tpu.memory_space<hbm>>
        %dma_wait3A_56 = tpu.memref_squeeze %dma_wait3A_55 : memref<1x16x64xbf16, #tpu.memory_space<hbm>> -> memref<16x64xbf16, #tpu.memory_space<hbm>>
        %dma_wait3A_57 = arith.constant 9984 : i32
        %dma_wait3A_58 = arith.constant 0 : i32
        %dma_wait3A_59 = tpu.memref_slice %arg9[%dma_wait3A_57, %dma_wait3A_58] : memref<10000x64xbf16, #tpu.memory_space<vmem_shared>> -> memref<16x64xbf16, #tpu.memory_space<vmem_shared>>
        tpu.wait_dma2 semaphore(%run_scoped3A : memref<!tpu.dma_semaphore, #tpu.memory_space<semaphore_mem>>) src(%dma_wait3A_59 : memref<16x64xbf16, #tpu.memory_space<vmem_shared>>) dst(%dma_wait3A_56 : memref<16x64xbf16, #tpu.memory_space<hbm>>)
        tpu.yield
      }) : () -> ()
    } else {
    }
    return
  }
}

module attributes {stable_mosaic.version = 14 : i64} {
  func.func @_mm_kernel(%arg0: i32, %arg1: memref<10000x128xf32, #tpu.memory_space<vmem>>, %arg2: memref<128x128xf32, #tpu.memory_space<vmem>>, %arg3: memref<10000x128xf32, #tpu.memory_space<vmem>>) attributes {dimension_semantics = [#tpu.dimension_semantics<arbitrary>], iteration_bounds = array<i64: 1>, scalar_prefetch = 0 : i64, scratch_operands = 0 : i64, tpu.core_type = #tpu.core_type<tc>, window_params = [{transform_indices = @transform_0, window_bounds = array<i64: 10000, 128>}, {pipeline_mode = #tpu.pipeline_mode<synchronous>, transform_indices = @transform_1, window_bounds = array<i64: 128, 128>}, {transform_indices = @transform_2, window_bounds = array<i64: 10000, 128>}]} {
    %get3A = arith.constant 0 : index
    %get3A_0 = arith.constant 0 : index
    %get3A_1 = vector.load %arg1[%get3A, %get3A_0] : memref<10000x128xf32, #tpu.memory_space<vmem>>, vector<10000x128xf32>
    %get3A_2 = arith.constant 0 : index
    %get3A_3 = arith.constant 0 : index
    %get3A_4 = vector.load %arg2[%get3A_2, %get3A_3] : memref<128x128xf32, #tpu.memory_space<vmem>>, vector<128x128xf32>
    %dot_general3A = arith.constant dense<0.000000e+00> : vector<10000x128xf32>
    %dot_general3A_5 = tpu.matmul %get3A_1, %get3A_4, %dot_general3A {dimension_numbers = #tpu.dot_dimension_numbers<[1], [0], [0], [1], [0, 0, 1, 1], [], []>, transpose_lhs_hint = false} : vector<10000x128xf32>, vector<128x128xf32>, vector<10000x128xf32> -> vector<10000x128xf32>
    %swap3A = arith.constant 0 : index
    %swap3A_6 = arith.constant 0 : index
    %swap3A_7 = vector.load %arg3[%swap3A, %swap3A_6] : memref<10000x128xf32, #tpu.memory_space<vmem>>, vector<10000x128xf32>
    tpu.vector_store %arg3[%swap3A, %swap3A_6], %dot_general3A_5 {strides = array<i32>} : memref<10000x128xf32, #tpu.memory_space<vmem>>, vector<10000x128xf32>,
    return
  }
  func.func @transform_0(%arg0: i32) -> (i32, i32) {
    %c0_i32 = arith.constant 0 : i32
    %c0_i32_0 = arith.constant 0 : i32
    return %arg0, %c0_i32 : i32, i32
  }
  func.func @transform_1(%arg0: i32) -> (i32, i32) {
    %c0_i32 = arith.constant 0 : i32
    %c0_i32_0 = arith.constant 0 : i32
    %c0_i32_1 = arith.constant 0 : i32
    return %c0_i32, %c0_i32_0 : i32, i32
  }
  func.func @transform_2(%arg0: i32) -> (i32, i32) {
    %c0_i32 = arith.constant 0 : i32
    %c0_i32_0 = arith.constant 0 : i32
    return %arg0, %c0_i32 : i32, i32
  }
}

module attributes {stable_mosaic.version = 14 : i64} {
  func.func @_scale_kernel(%arg0: i32, %arg1: memref<10000x128xf32, #tpu.memory_space<vmem>>, %arg2: memref<2x10000x16xf32, #tpu.memory_space<vmem>>, %arg3: memref<10000x128xbf16, #tpu.memory_space<vmem>>) attributes {dimension_semantics = [#tpu.dimension_semantics<arbitrary>], iteration_bounds = array<i64: 1>, scalar_prefetch = 0 : i64, scratch_operands = 0 : i64, tpu.core_type = #tpu.core_type<tc>, window_params = [{transform_indices = @transform_0, window_bounds = array<i64: 10000, 128>}, {transform_indices = @transform_1, window_bounds = array<i64: 2, 10000, 16>}, {transform_indices = @transform_2, window_bounds = array<i64: 10000, 128>}]} {
    %get3A = arith.constant 0 : index
    %get3A_0 = arith.constant 0 : index
    %get3A_1 = arith.constant 0 : index
    %get3A_2 = vector.load %arg2[%get3A, %get3A_0, %get3A_1] : memref<2x10000x16xf32, #tpu.memory_space<vmem>>, vector<1x10000x1xf32>
    %get3A_3 = vector.shape_cast %get3A_2 : vector<1x10000x1xf32> to vector<10000x1xf32>
    %get3A_4 = arith.constant 1 : index
    %get3A_5 = arith.constant 0 : index
    %get3A_6 = arith.constant 0 : index
    %get3A_7 = vector.load %arg2[%get3A_4, %get3A_5, %get3A_6] : memref<2x10000x16xf32, #tpu.memory_space<vmem>>, vector<1x10000x1xf32>
    %get3A_8 = vector.shape_cast %get3A_7 : vector<1x10000x1xf32> to vector<10000x1xf32>
    %add3A = arith.addf %get3A_3, %get3A_8 : vector<10000x1xf32>
    %add3A_9 = arith.constant 1.000000e+00 : f32
    %add3A_10 = vector.broadcast %add3A_9 : f32 to vector<10000x1xf32>
    %add3A_11 = arith.addf %add3A, %add3A_10 : vector<10000x1xf32>
    %rsqrt3A = math.rsqrt %add3A_11 : vector<10000x1xf32>
    %get3A_12 = arith.constant 0 : index
    %get3A_13 = arith.constant 0 : index
    %get3A_14 = vector.load %arg1[%get3A_12, %get3A_13] : memref<10000x128xf32, #tpu.memory_space<vmem>>, vector<10000x128xf32>
    %mul3A = vector.broadcast %rsqrt3A : vector<10000x1xf32> to vector<10000x128xf32>
    %mul3A_15 = arith.mulf %mul3A, %get3A_14 : vector<10000x128xf32>
    %convert_element_type3A = arith.truncf %mul3A_15 : vector<10000x128xf32> to vector<10000x128xbf16>
    %swap3A = arith.constant 0 : index
    %swap3A_16 = arith.constant 0 : index
    %swap3A_17 = vector.load %arg3[%swap3A, %swap3A_16] : memref<10000x128xbf16, #tpu.memory_space<vmem>>, vector<10000x128xbf16>
    tpu.vector_store %arg3[%swap3A, %swap3A_16], %convert_element_type3A {strides = array<i32>} : memref<10000x128xbf16, #tpu.memory_space<vmem>>, vector<10000x128xbf16>,
    return
  }
  func.func @transform_0(%arg0: i32) -> (i32, i32) {
    %c0_i32 = arith.constant 0 : i32
    %c0_i32_0 = arith.constant 0 : i32
    return %arg0, %c0_i32 : i32, i32
  }
  func.func @transform_1(%arg0: i32) -> (i32, i32, i32) {
    %c0_i32 = arith.constant 0 : i32
    %c0_i32_0 = arith.constant 0 : i32
    %c0_i32_1 = arith.constant 0 : i32
    return %c0_i32, %arg0, %c0_i32_0 : i32, i32, i32
  }
  func.func @transform_2(%arg0: i32) -> (i32, i32) {
    %c0_i32 = arith.constant 0 : i32
    %c0_i32_0 = arith.constant 0 : i32
    return %arg0, %c0_i32 : i32, i32
  }
}

module attributes {stable_mosaic.version = 14 : i64} {
  func.func @_mid_kernel(%arg0: i32, %arg1: memref<2x10000x128xbf16, #tpu.memory_space<vmem>>, %arg2: memref<10000x128xbf16, #tpu.memory_space<vmem>>, %arg3: memref<2x10000x16xf32, #tpu.memory_space<vmem>>, %arg4: memref<1x128xf32, #tpu.memory_space<vmem>>, %arg5: memref<128x64xf32, #tpu.memory_space<vmem>>, %arg6: memref<10000x64xbf16, #tpu.memory_space<vmem>>) attributes {dimension_semantics = [#tpu.dimension_semantics<arbitrary>], iteration_bounds = array<i64: 1>, scalar_prefetch = 0 : i64, scratch_operands = 0 : i64, tpu.core_type = #tpu.core_type<tc>, window_params = [{transform_indices = @transform_0, window_bounds = array<i64: 2, 10000, 128>}, {transform_indices = @transform_1, window_bounds = array<i64: 10000, 128>}, {transform_indices = @transform_2, window_bounds = array<i64: 2, 10000, 16>}, {pipeline_mode = #tpu.pipeline_mode<synchronous>, transform_indices = @transform_3, window_bounds = array<i64: 1, 128>}, {pipeline_mode = #tpu.pipeline_mode<synchronous>, transform_indices = @transform_4, window_bounds = array<i64: 128, 64>}, {transform_indices = @transform_5, window_bounds = array<i64: 10000, 64>}]} {
    %get3A = arith.constant 0 : index
    %get3A_0 = arith.constant 0 : index
    %get3A_1 = arith.constant 0 : index
    %get3A_2 = vector.load %arg3[%get3A, %get3A_0, %get3A_1] : memref<2x10000x16xf32, #tpu.memory_space<vmem>>, vector<1x10000x1xf32>
    %get3A_3 = vector.shape_cast %get3A_2 : vector<1x10000x1xf32> to vector<10000x1xf32>
    %get3A_4 = arith.constant 1 : index
    %get3A_5 = arith.constant 0 : index
    %get3A_6 = arith.constant 0 : index
    %get3A_7 = vector.load %arg3[%get3A_4, %get3A_5, %get3A_6] : memref<2x10000x16xf32, #tpu.memory_space<vmem>>, vector<1x10000x1xf32>
    %get3A_8 = vector.shape_cast %get3A_7 : vector<1x10000x1xf32> to vector<10000x1xf32>
    %add3A = arith.addf %get3A_3, %get3A_8 : vector<10000x1xf32>
    %add3A_9 = arith.constant 1.000000e+00 : f32
    %add3A_10 = vector.broadcast %add3A_9 : f32 to vector<10000x1xf32>
    %add3A_11 = arith.addf %add3A, %add3A_10 : vector<10000x1xf32>
    %rsqrt3A = math.rsqrt %add3A_11 : vector<10000x1xf32>
    %get3A_12 = arith.constant 0 : index
    %get3A_13 = arith.constant 0 : index
    %get3A_14 = arith.constant 0 : index
    %get3A_15 = vector.load %arg1[%get3A_12, %get3A_13, %get3A_14] : memref<2x10000x128xbf16, #tpu.memory_space<vmem>>, vector<1x10000x128xbf16>
    %get3A_16 = vector.shape_cast %get3A_15 : vector<1x10000x128xbf16> to vector<10000x128xbf16>
    %convert_element_type3A = arith.extf %get3A_16 : vector<10000x128xbf16> to vector<10000x128xf32>
    %get3A_17 = arith.constant 1 : index
    %get3A_18 = arith.constant 0 : index
    %get3A_19 = arith.constant 0 : index
    %get3A_20 = vector.load %arg1[%get3A_17, %get3A_18, %get3A_19] : memref<2x10000x128xbf16, #tpu.memory_space<vmem>>, vector<1x10000x128xbf16>
    %get3A_21 = vector.shape_cast %get3A_20 : vector<1x10000x128xbf16> to vector<10000x128xbf16>
    %convert_element_type3A_22 = arith.extf %get3A_21 : vector<10000x128xbf16> to vector<10000x128xf32>
    %add3A_23 = arith.addf %convert_element_type3A, %convert_element_type3A_22 : vector<10000x128xf32>
    %get3A_24 = arith.constant 0 : index
    %get3A_25 = arith.constant 0 : index
    %get3A_26 = vector.load %arg2[%get3A_24, %get3A_25] : memref<10000x128xbf16, #tpu.memory_space<vmem>>, vector<10000x128xbf16>
    %convert_element_type3A_27 = arith.extf %get3A_26 : vector<10000x128xbf16> to vector<10000x128xf32>
    %sub3A = arith.subf %add3A_23, %convert_element_type3A_27 : vector<10000x128xf32>
    %mul3A = vector.broadcast %rsqrt3A : vector<10000x1xf32> to vector<10000x128xf32>
    %mul3A_28 = arith.mulf %mul3A, %sub3A : vector<10000x128xf32>
    %get3A_29 = arith.constant 0 : index
    %get3A_30 = arith.constant 0 : index
    %get3A_31 = vector.load %arg4[%get3A_29, %get3A_30] : memref<1x128xf32, #tpu.memory_space<vmem>>, vector<1x128xf32>
    %add3A_32 = vector.broadcast %get3A_31 : vector<1x128xf32> to vector<10000x128xf32>
    %add3A_33 = arith.addf %mul3A_28, %add3A_32 : vector<10000x128xf32>
    %max3A = arith.constant 0.000000e+00 : f32
    %max3A_34 = vector.broadcast %max3A : f32 to vector<10000x128xf32>
    %max3A_35 = arith.maximumf %add3A_33, %max3A_34 : vector<10000x128xf32>
    %get3A_36 = arith.constant 0 : index
    %get3A_37 = arith.constant 0 : index
    %get3A_38 = vector.load %arg5[%get3A_36, %get3A_37] : memref<128x64xf32, #tpu.memory_space<vmem>>, vector<128x64xf32>
    %dot_general3A = arith.constant dense<0.000000e+00> : vector<10000x64xf32>
    %dot_general3A_39 = tpu.matmul %max3A_35, %get3A_38, %dot_general3A {dimension_numbers = #tpu.dot_dimension_numbers<[1], [0], [0], [1], [0, 0, 1, 1], [], []>, transpose_lhs_hint = false} : vector<10000x128xf32>, vector<128x64xf32>, vector<10000x64xf32> -> vector<10000x64xf32>
    %mul3A_40 = vector.broadcast %rsqrt3A : vector<10000x1xf32> to vector<10000x64xf32>
    %mul3A_41 = arith.mulf %mul3A_40, %dot_general3A_39 : vector<10000x64xf32>
    %convert_element_type3A_42 = arith.truncf %mul3A_41 : vector<10000x64xf32> to vector<10000x64xbf16>
    %swap3A = arith.constant 0 : index
    %swap3A_43 = arith.constant 0 : index
    %swap3A_44 = vector.load %arg6[%swap3A, %swap3A_43] : memref<10000x64xbf16, #tpu.memory_space<vmem>>, vector<10000x64xbf16>
    tpu.vector_store %arg6[%swap3A, %swap3A_43], %convert_element_type3A_42 {strides = array<i32>} : memref<10000x64xbf16, #tpu.memory_space<vmem>>, vector<10000x64xbf16>,
    return
  }
  func.func @transform_0(%arg0: i32) -> (i32, i32, i32) {
    %c0_i32 = arith.constant 0 : i32
    %c0_i32_0 = arith.constant 0 : i32
    %c0_i32_1 = arith.constant 0 : i32
    return %c0_i32, %arg0, %c0_i32_0 : i32, i32, i32
  }
  func.func @transform_1(%arg0: i32) -> (i32, i32) {
    %c0_i32 = arith.constant 0 : i32
    %c0_i32_0 = arith.constant 0 : i32
    return %arg0, %c0_i32 : i32, i32
  }
  func.func @transform_2(%arg0: i32) -> (i32, i32, i32) {
    %c0_i32 = arith.constant 0 : i32
    %c0_i32_0 = arith.constant 0 : i32
    %c0_i32_1 = arith.constant 0 : i32
    return %c0_i32, %arg0, %c0_i32_0 : i32, i32, i32
  }
  func.func @transform_3(%arg0: i32) -> (i32, i32) {
    %c0_i32 = arith.constant 0 : i32
    %c0_i32_0 = arith.constant 0 : i32
    %c0_i32_1 = arith.constant 0 : i32
    return %c0_i32, %c0_i32_0 : i32, i32
  }
  func.func @transform_4(%arg0: i32) -> (i32, i32) {
    %c0_i32 = arith.constant 0 : i32
    %c0_i32_0 = arith.constant 0 : i32
    %c0_i32_1 = arith.constant 0 : i32
    return %c0_i32, %c0_i32_0 : i32, i32
  }
  func.func @transform_5(%arg0: i32) -> (i32, i32) {
    %c0_i32 = arith.constant 0 : i32
    %c0_i32_0 = arith.constant 0 : i32
    return %arg0, %c0_i32 : i32, i32
  }
}

module attributes {stable_mosaic.version = 14 : i64} {
  func.func @_final_kernel(%arg0: i32, %arg1: memref<2x10000x64xbf16, #tpu.memory_space<vmem>>, %arg2: memref<10000x64xbf16, #tpu.memory_space<vmem>>, %arg3: memref<2x10000x16xf32, #tpu.memory_space<vmem>>, %arg4: memref<1x64xf32, #tpu.memory_space<vmem>>, %arg5: memref<10000x64xf32, #tpu.memory_space<vmem>>) attributes {dimension_semantics = [#tpu.dimension_semantics<arbitrary>], iteration_bounds = array<i64: 1>, scalar_prefetch = 0 : i64, scratch_operands = 0 : i64, tpu.core_type = #tpu.core_type<tc>, window_params = [{transform_indices = @transform_0, window_bounds = array<i64: 2, 10000, 64>}, {transform_indices = @transform_1, window_bounds = array<i64: 10000, 64>}, {transform_indices = @transform_2, window_bounds = array<i64: 2, 10000, 16>}, {pipeline_mode = #tpu.pipeline_mode<synchronous>, transform_indices = @transform_3, window_bounds = array<i64: 1, 64>}, {transform_indices = @transform_4, window_bounds = array<i64: 10000, 64>}]} {
    %get3A = arith.constant 0 : index
    %get3A_0 = arith.constant 0 : index
    %get3A_1 = arith.constant 0 : index
    %get3A_2 = vector.load %arg3[%get3A, %get3A_0, %get3A_1] : memref<2x10000x16xf32, #tpu.memory_space<vmem>>, vector<1x10000x1xf32>
    %get3A_3 = vector.shape_cast %get3A_2 : vector<1x10000x1xf32> to vector<10000x1xf32>
    %get3A_4 = arith.constant 1 : index
    %get3A_5 = arith.constant 0 : index
    %get3A_6 = arith.constant 0 : index
    %get3A_7 = vector.load %arg3[%get3A_4, %get3A_5, %get3A_6] : memref<2x10000x16xf32, #tpu.memory_space<vmem>>, vector<1x10000x1xf32>
    %get3A_8 = vector.shape_cast %get3A_7 : vector<1x10000x1xf32> to vector<10000x1xf32>
    %add3A = arith.addf %get3A_3, %get3A_8 : vector<10000x1xf32>
    %add3A_9 = arith.constant 1.000000e+00 : f32
    %add3A_10 = vector.broadcast %add3A_9 : f32 to vector<10000x1xf32>
    %add3A_11 = arith.addf %add3A, %add3A_10 : vector<10000x1xf32>
    %rsqrt3A = math.rsqrt %add3A_11 : vector<10000x1xf32>
    %get3A_12 = arith.constant 0 : index
    %get3A_13 = arith.constant 0 : index
    %get3A_14 = arith.constant 0 : index
    %get3A_15 = vector.load %arg1[%get3A_12, %get3A_13, %get3A_14] : memref<2x10000x64xbf16, #tpu.memory_space<vmem>>, vector<1x10000x64xbf16>
    %get3A_16 = vector.shape_cast %get3A_15 : vector<1x10000x64xbf16> to vector<10000x64xbf16>
    %convert_element_type3A = arith.extf %get3A_16 : vector<10000x64xbf16> to vector<10000x64xf32>
    %get3A_17 = arith.constant 1 : index
    %get3A_18 = arith.constant 0 : index
    %get3A_19 = arith.constant 0 : index
    %get3A_20 = vector.load %arg1[%get3A_17, %get3A_18, %get3A_19] : memref<2x10000x64xbf16, #tpu.memory_space<vmem>>, vector<1x10000x64xbf16>
    %get3A_21 = vector.shape_cast %get3A_20 : vector<1x10000x64xbf16> to vector<10000x64xbf16>
    %convert_element_type3A_22 = arith.extf %get3A_21 : vector<10000x64xbf16> to vector<10000x64xf32>
    %add3A_23 = arith.addf %convert_element_type3A, %convert_element_type3A_22 : vector<10000x64xf32>
    %get3A_24 = arith.constant 0 : index
    %get3A_25 = arith.constant 0 : index
    %get3A_26 = vector.load %arg2[%get3A_24, %get3A_25] : memref<10000x64xbf16, #tpu.memory_space<vmem>>, vector<10000x64xbf16>
    %convert_element_type3A_27 = arith.extf %get3A_26 : vector<10000x64xbf16> to vector<10000x64xf32>
    %sub3A = arith.subf %add3A_23, %convert_element_type3A_27 : vector<10000x64xf32>
    %mul3A = vector.broadcast %rsqrt3A : vector<10000x1xf32> to vector<10000x64xf32>
    %mul3A_28 = arith.mulf %mul3A, %sub3A : vector<10000x64xf32>
    %get3A_29 = arith.constant 0 : index
    %get3A_30 = arith.constant 0 : index
    %get3A_31 = vector.load %arg4[%get3A_29, %get3A_30] : memref<1x64xf32, #tpu.memory_space<vmem>>, vector<1x64xf32>
    %add3A_32 = vector.broadcast %get3A_31 : vector<1x64xf32> to vector<10000x64xf32>
    %add3A_33 = arith.addf %mul3A_28, %add3A_32 : vector<10000x64xf32>
    %reduce_max3A = arith.constant dense<0xFF800000> : vector<10000xf32>
    %reduce_max3A_34 = vector.multi_reduction <maximumf>, %add3A_33, %reduce_max3A [1] : vector<10000x64xf32> to vector<10000xf32>
    %broadcast_in_dim3A = vector.shape_cast %reduce_max3A_34 : vector<10000xf32> to vector<10000x1xf32>
    %sub3A_35 = vector.broadcast %broadcast_in_dim3A : vector<10000x1xf32> to vector<10000x64xf32>
    %sub3A_36 = arith.subf %add3A_33, %sub3A_35 : vector<10000x64xf32>
    %exp3A = math.exp %sub3A_36 : vector<10000x64xf32>
    %sub3A_37 = vector.broadcast %broadcast_in_dim3A : vector<10000x1xf32> to vector<10000x64xf32>
    %sub3A_38 = arith.subf %add3A_33, %sub3A_37 : vector<10000x64xf32>
    %reduce_sum3A = arith.constant dense<0.000000e+00> : vector<10000xf32>
    %reduce_sum3A_39 = vector.multi_reduction <add>, %exp3A, %reduce_sum3A [1] : vector<10000x64xf32> to vector<10000xf32>
    %broadcast_in_dim3A_40 = vector.shape_cast %reduce_sum3A_39 : vector<10000xf32> to vector<10000x1xf32>
    %log3A = math.log %broadcast_in_dim3A_40 : vector<10000x1xf32>
    %sub3A_41 = vector.broadcast %log3A : vector<10000x1xf32> to vector<10000x64xf32>
    %sub3A_42 = arith.subf %sub3A_38, %sub3A_41 : vector<10000x64xf32>
    %swap3A = arith.constant 0 : index
    %swap3A_43 = arith.constant 0 : index
    %swap3A_44 = vector.load %arg5[%swap3A, %swap3A_43] : memref<10000x64xf32, #tpu.memory_space<vmem>>, vector<10000x64xf32>
    tpu.vector_store %arg5[%swap3A, %swap3A_43], %sub3A_42 {strides = array<i32>} : memref<10000x64xf32, #tpu.memory_space<vmem>>, vector<10000x64xf32>,
    return
  }
  func.func @transform_0(%arg0: i32) -> (i32, i32, i32) {
    %c0_i32 = arith.constant 0 : i32
    %c0_i32_0 = arith.constant 0 : i32
    %c0_i32_1 = arith.constant 0 : i32
    return %c0_i32, %arg0, %c0_i32_0 : i32, i32, i32
  }
  func.func @transform_1(%arg0: i32) -> (i32, i32) {
    %c0_i32 = arith.constant 0 : i32
    %c0_i32_0 = arith.constant 0 : i32
    return %arg0, %c0_i32 : i32, i32
  }
  func.func @transform_2(%arg0: i32) -> (i32, i32, i32) {
    %c0_i32 = arith.constant 0 : i32
    %c0_i32_0 = arith.constant 0 : i32
    %c0_i32_1 = arith.constant 0 : i32
    return %c0_i32, %arg0, %c0_i32_0 : i32, i32, i32
  }
  func.func @transform_3(%arg0: i32) -> (i32, i32) {
    %c0_i32 = arith.constant 0 : i32
    %c0_i32_0 = arith.constant 0 : i32
    %c0_i32_1 = arith.constant 0 : i32
    return %c0_i32, %c0_i32_0 : i32, i32
  }
  func.func @transform_4(%arg0: i32) -> (i32, i32) {
    %c0_i32 = arith.constant 0 : i32
    %c0_i32_0 = arith.constant 0 : i32
    return %arg0, %c0_i32 : i32, i32
  }
}

</mosaic_0001>

<sc_bundles>
// kernel: kernel.12.cloned.1.call-start
scs
__scs_entry_jumppad:
0x0: {  	(pc) =	sbr.rel $0x88, $3  }
0x1: {  	(tag) =	ssettag $0x0;
	lr =	simm.s32 $0x1  }
0x2: {  	[smem:$0x3F9B] =	sst lr;
	_ =	strace $0xD0000000  }
0x3: {  	_ = 	snop  }
0x4: {  	_ = 	snop  }
0x5: {  	_ = 	snop  }
0x6: {  	_ = 	snop  }
0x7: {  	_ = 	snop  }
__scs_overlays_trampoline_lowered:
0x8: {  	[smem:$0x3FAA] =	sst s0  }
0x9: {  	[smem:$0x3FAB] =	sst s1  }
0xa: {  	[smem:$0x3FAC] =	sst s2  }
0xb: {  	[smem:$0x3FAD] =	sst s3  }
0xc: {  	[smem:$0x3FAE] =	sst s4  }
0xd: {  	[smem:$0x3FAF] =	sst s5  }
0xe: {  	[smem:$0x3FB0] =	sst s6  }
0xf: {  	[smem:$0x3FB1] =	sst s7  }
0x10: {  	[smem:$0x3FB2] =	sst s8  }
0x11: {  	[smem:$0x3FB3] =	sst s9;
	s0 =	simm.s32 @!p0 $0x0  }
0x12: {  	s1 =	sld [smem:$0x3F99];
	s0 =	simm.s32 @p0 $0x1  }
0x13: {  	[smem:$0x3FB4] =	sst s0;
	s0 =	simm.s32 @!p1 $0x0  }
0x14: {  	s2 =	sld [smem:$0x3F98];
	s0 =	simm.s32 @p1 $0x1  }
0x15: {  	[smem:$0x3FB5] =	sst s0;
	s0 =	simm.s32 @!p2 $0x0  }
0x16: {  	s3 =	sld [smem:$0x3FDB];
	s0 =	simm.s32 @p2 $0x1  }
0x17: {  	s4 =	simm.s32 $0x1BF5;
	[smem:$0x3FB7] =	sst s0  }
0x18: {  	s0 =	sld [smem:$0x3F9A];
	_ =	swait.ge [sflag:s4], $0x0  }
0x19: {  	s7 =	sld [smem:$0x3F9B]  }
0x1a: {  	s8 =	sadd.s32 $0xFFFFE003, lr  }
0x1b: {  	s9 =	sadd.s32 $0xFFFFFEF7, lr;
	s5 =	simm.s32 $0xFFFFFFFF;
	p2 =	slt.u32 s8, $0xFFFFF086  }
0x1c: {  	p1 =	slt.u32 s9, $0xF7A;
	s5 =	simm.s32 @!p2 $0x0  }
0x1d: {  	s5 =	simm.s32 @p1 $0x1;
	p0 =	seq.s32 s7, s2  }
0x1e: {  	s7 =	smul.u32 @!p0 $0xF7A, s2;
	p2 =	seq.s32 @!p0 s5, $0x0  }
0x1f: {  	s9 =	smul.u32 $0xF7A, s1;
	s8 =	simm.s32 @!p0 $0x1BF5;
	p2 =	por !p2, p0  }
0x20: {  	[sflag:s8] =	ssyncset.s32 @!p0 $0xFFFFF086;
	s6 =	sadd.s32 @!p0 s3, s7;
	s7 =	simm.s32 @!p0 $0x108  }
0x21: {  	s3 =	sadd.s32 s3, s9;
	s6 =	sadd.s32 @!p0 $0x88, s6;
	s7 =	simm.s32 @p2 $0x1082  }
0x22: {  	[simem:s7], [sflag:s8] =	dma.local @!p0 [hbm:s6], $0xF7A  }
0x23: {  	s9 =	sor.u32 $0xD0000000, s2;
	s6 =	simm.s32 $0x108;
	_ =	swait.ge @!p0 [sflag:s8], $0x0  }
0x24: {  	s3 =	sadd.s32 $0x88, s3;
	s6 =	simm.s32 @!p1 $0x1082;
	[sflag:s4] =	ssyncset.s32 $0xFFFFF086  }
0x25: {  	[simem:s6], [sflag:s4] =	dma.local [hbm:s3], $0xF7A  }
0x26: {  	[smem:$0x3F9B] =	sst s1;
	(tag) =	ssettag s2;
	_ =	strace s9  }
0x27: {  	s1 =	sld [smem:$0x3FAB]  }
0x28: {  	s2 =	sld [smem:$0x3FAC]  }
0x29: {  	s4 =	sld [smem:$0x3FAE]  }
0x2a: {  	p0 =	seq.s32 s5, $0x0;
	s5 =	sld [smem:$0x3FAF]  }
0x2b: {  	s6 =	sld [smem:$0x3FB0]  }
0x2c: {  	s7 =	sld [smem:$0x3FB1]  }
0x2d: {  	s3 =	simm.s32 $0x108;
	s8 =	sld [smem:$0x3FB2]  }
0x2e: {  	s3 =	simm.s32 @!p0 $0x1082;
	s9 =	sld [smem:$0x3FB3]  }
0x2f: {  	lr =	sadd.s32 s0, s3;
	s0 =	sld [smem:$0x3FAA]  }
0x30: {  	s3 =	sld [smem:$0x3FAD]  }
0x31: {  	[smem:$0x3FB6] =	sst s10  }
0x32: {  	s10 =	sld [smem:$0x3FB4];
	_ =	sdelay $0x3  }
0x33: {  	p0 =	seq.s32 s10, $0x1;
	s10 =	sld [smem:$0x3FB6];
	_ =	sdelay $0x3  }
0x34: {  	[smem:$0x3FB6] =	sst s10  }
0x35: {  	s10 =	sld [smem:$0x3FB5];
	_ =	sdelay $0x3  }
0x36: {  	p1 =	seq.s32 s10, $0x1;
	s10 =	sld [smem:$0x3FB6];
	_ =	sdelay $0x3  }
0x37: {  	[smem:$0x3FB6] =	sst s10  }
0x38: {  	s10 =	sld [smem:$0x3FB7]  }
0x39: {  	_ = 	snop;
	(pc) =	sbr.ind lr, $3  }
0x3a: {  	_ = 	snop  }
0x3b: {  	_ = 	snop  }
0x3c: {  	p2 =	seq.s32 s10, $0x1;
	s10 =	sld [smem:$0x3FB6]  }
0x3d: {  	_ =	shalt  }
0x3e: {  	_ =	shalt  }
0x3f: {  	_ =	shalt  }
0x40: {  	_ =	shalt  }
0x41: {  	_ =	shalt  }
0x42: {  	_ =	shalt  }
0x43: {  	_ =	shalt  }
0x44: {  	_ =	shalt  }
0x45: {  	_ =	shalt  }
0x46: {  	_ =	shalt  }
0x47: {  	_ =	shalt  }
0x48: {  	_ =	shalt  }
0x49: {  	_ =	shalt  }
0x4a: {  	_ =	shalt  }
0x4b: {  	_ =	shalt  }
0x4c: {  	_ =	shalt  }
0x4d: {  	_ =	shalt  }
0x4e: {  	_ =	shalt  }
0x4f: {  	_ =	shalt  }
0x50: {  	_ =	shalt  }
0x51: {  	_ =	shalt  }
0x52: {  	_ =	shalt  }
0x53: {  	_ =	shalt  }
0x54: {  	_ =	shalt  }
0x55: {  	_ =	shalt  }
0x56: {  	_ =	shalt  }
0x57: {  	_ =	shalt  }
0x58: {  	_ =	shalt  }
0x59: {  	_ =	shalt  }
0x5a: {  	_ =	shalt  }
0x5b: {  	_ =	shalt  }
0x5c: {  	_ =	shalt  }
0x5d: {  	_ =	shalt  }
0x5e: {  	_ =	shalt  }
0x5f: {  	_ =	shalt  }
0x60: {  	_ =	shalt  }
0x61: {  	_ =	shalt  }
0x62: {  	_ =	shalt  }
0x63: {  	_ =	shalt  }
0x64: {  	_ =	shalt  }
0x65: {  	_ =	shalt  }
0x66: {  	_ =	shalt  }
0x67: {  	_ =	shalt  }
0x68: {  	_ =	shalt  }
0x69: {  	_ =	shalt  }
0x6a: {  	_ =	shalt  }
0x6b: {  	_ =	shalt  }
0x6c: {  	_ =	shalt  }
0x6d: {  	_ =	shalt  }
0x6e: {  	_ =	shalt  }
0x6f: {  	_ =	shalt  }
0x70: {  	_ =	shalt  }
0x71: {  	_ =	shalt  }
0x72: {  	_ =	shalt  }
0x73: {  	_ =	shalt  }
0x74: {  	_ =	shalt  }
0x75: {  	_ =	shalt  }
0x76: {  	_ =	shalt  }
0x77: {  	_ =	shalt  }
0x78: {  	_ =	shalt  }
0x79: {  	_ =	shalt  }
0x7a: {  	_ =	shalt  }
0x7b: {  	_ =	shalt  }
0x7c: {  	_ =	shalt  }
0x7d: {  	_ =	shalt  }
0x7e: {  	_ =	shalt  }
0x7f: {  	_ =	shalt  }
0x80: {  	_ =	shalt  }
0x81: {  	_ =	shalt  }
0x82: {  	_ =	shalt  }
0x83: {  	_ =	shalt  }
0x84: {  	_ =	shalt  }
0x85: {  	_ =	shalt  }
0x86: {  	_ =	shalt  }
0x87: {  	_ =	shalt  }
.Lfunc_end0:
.L_simem_size_0:
called_computation.1_lowered:
.L_overlay_start_0:
0x88: {  	s2 =	sld [smem:$0x3FD9]  }
0x89: {  	s3 =	sld [smem:$0x3FFE];
	_ =	sdelay $0x1  }
0x8a: {  	s1 =	srdreg.scid  }
0x8b: {  	s0 =	sand.u32 $0x1, s1  }
0x8c: {  	s17 =	sshll.u32 s0, $0xA;
	s2 =	sadd.s32 s3, s2  }
0x8d: {  	s2 =	sadd.s32 s2, s17  }
0x8e: {  	[smem:$0x3FC2] =	sst s2  }
0x8f: {  	_ = 	snop  }
0x90: {  	s2 =	sld [smem:$0x3FD0];
	(tm) =	ssettm $0x1  }
0x91: {  	s18 =	sld [smem:$0x3FFB];
	_ =	sdelay $0x3  }
0x92: {  	_ =	strace s18  }
0x93: {  	s3 =	sld [smem:$0x3FFC];
	_ =	sdelay $0x3  }
0x94: {  	_ =	strace s3  }
0x95: {  	s3 =	sld [smem:$0x3FFD];
	_ =	sdelay $0x3  }
0x96: {  	_ =	strace s3  }
0x97: {  	_ =	strace $0x8FFFFFFF  }
0x98: {  	s19 =	sld [smem:$0x3FDB];
	_ =	sdelay $0x1  }
0x99: {  	s4 =	simm.s32 $_scs_section_size  }
0x9a: {  	s5 =	simm.s32 $_size__tile_overlayer_lowered;
	s6 =	simm.s32 $_tile_overlayer_lowered  }
0x9b: {  	s22 =	simm.s32 $0x1BFF;
	s21 =	sshll.u32 s6, $0x1;
	s3 =	sadd.s32 s4, s19  }
0x9c: {  	s7 =	simm.s32 $0x0;
	s20 =	sshll.u32 s5, $0x1;
	s5 =	sadd.s32 s21, s3  }
0x9d: {  	[timem:s7], [sflag:s22] =	dma.local [hbm:s5], s20  }
0x9e: {  	_ =	swait.ge [sflag:s22], s20  }
0x9f: {  	s4 =	ssub.s32 $0x0, s20;
	[sflag:s22] =	ssyncset.done $0x0  }
0xa0: {  	[sflag:s22] =	ssyncadd.s32 s4;
	_ =	sdelay $0x1  }
0xa1: {  	s23 =	simm.s32 $0x1B8B  }
0xa2: {  	_ =	swait.ge [sflag:s23], $0x1  }
0xa3: {  	[sflag:s23] =	ssyncset.done $0x0  }
0xa4: {  	s25 =	simm.s32 $0x1B8E;
	s24 =	sld [smem:$0x3FFE];
	[sflag:s23] =	ssyncadd.s32 $0xFFFFFFFF  }
0xa5: {  	s26 =	simm.s32 $execute0_lowered;
	[smem:$0x3FD2] =	sst s25  }
0xa6: {  	s5 =	sshll.u32 s26, $0x1;
	_ =	strace $0x80000049;
	[dreg:$0x1] =	wrdreg $0xFFFFFFFF  }
0xa7: {  	s28 =	simm.s32 $_size_execute0_lowered;
	s3 =	sadd.s32 s3, s5;
	[dreg:$0x0] =	wrdreg $0x0  }
0xa8: {  	s5 =	sshll.u32 s28, $0x1;
	[dreg:$0x2] =	wrdreg s3  }
0xa9: {  	[dreg:$0x3] =	wrdreg s5  }
0xaa: {  	[dreg:$0x4] =	wrdreg $0xC0  }
0xab: {  	_ =	task [dreg:s7], $0x5FFFF  }
0xac: {  	[dreg:$0x1] =	wrdreg $0xFFFFFFFF  }
0xad: {  	[dreg:$0x0] =	wrdreg $0x60  }
0xae: {  	[dreg:$0x2] =	wrdreg s2  }
0xaf: {  	[dreg:$0x3] =	wrdreg s24  }
0xb0: {  	[dreg:$0x4] =	wrdreg $0x8E800  }
0xb1: {  	[dreg:$0x5] =	wrdreg $0x9  }
0xb2: {  	_ =	task.clear_ibuf [dreg:s7], $0x6FFFF;
	_ =	strace $0x90000049  }
0xb3: {  	s29 =	simm.s32 $0x9;
	_ =	strace $0x8000004B  }
0xb4: {  	_ =	swait.ge [sflag:s29], $0x1  }
0xb5: {  	[sflag:s29] =	ssyncadd.s32 $0xFFFFFFFF  }
0xb6: {  	_ =	strace $0x9000004B  }
0xb7: {  	_ =	sfence  }
0xb8: {  	s30 =	sld [smem:$0x0];
	_ =	sdelay $0x2  }
0xb9: {  	s31 =	sshll.u32 s1, $0xD;
	s1 =	sshrl.u32 s1, $0x2  }
0xba: {  	s3 =	sand.u32 $0x4000, s31;
	s1 =	sadd.s32 s1, s30  }
0xbb: {  	s0 =	sor.u32 s3, s0;
	s1 =	sshll.u32 s1, $0x11  }
0xbc: {  	s0 =	sor.u32 s1, s0  }
0xbd: {  	s0 =	sadd.s32 $0x8F2B, s0  }
0xbe: {  	[sflag:s0] =	ssyncadd.remote.s32 $0x1  }
0xbf: {  	_ =	sfence.sel $0xFFFF  }
0xc0: {  	[dreg:$0x0] =	wrdreg $0xFFFFFFFF;
	(pc) =	sbr.abs _section_cstart, $3  }
0xc1: {  	[dreg:$0x1] =	wrdreg $0xFFFFFFFF  }
0xc2: {  	_ =	task.clear_ibuf [dreg:s7], $0x2FFFF;
	_ =	strace $0x9FFFFFFF  }
0xc3: {  	(tm) =	ssettm $0x7FFFFFFF  }
tec
execute0_lowered:
.L_overlay_start_1:
0x0: {  	(tag) =	ssettag $0x1  }
0x1: {  	s0 =	rddreg [dreg:$0x0]  }
0x2: {  	s1 =	srdreg.scid;
	s4 =	rddreg [dreg:$0x1]  }
0x3: {  	s13 =	stileid.u32;
	s2 =	rddreg [dreg:$0x2];
	s3 =	simm.s32 $0x0  }
0x4: {  	s12 =	simm.s32 $0x2800;
	s16 =	simm.s32 $0x7D;
	s17 =	simm.s32 $0x5000  }
0x5: {  	s18 =	simm.s32 $0x80;
	s19 =	simm.s32 $0x6F40;
	s20 =	simm.s32 $0x1  }
0x6: {  	s21 =	simm.s32 $0x2;
	s22 =	simm.s32 $0x4F00;
	s23 =	simm.s32 $0x4F80  }
0x7: {  	s24 =	simm.s32 $0x0;
	s5 =	sand.u32 $0x1, s1;
	s1 =	rddreg [dreg:$0x3]  }
0x8: {  	s26 =	sshll.u32 s13, $0x1;
	[smem:$0x7FF] =	sst s3;
	s9 =	sadd.s32 $0x68A00, s4  }
0x9: {  	s8 =	smul.u32 $0x13800, s13;
	s15 =	sadd.s32 $0x9C000, s2;
	p0 =	sne.s32 s13, $0x0  }
0xa: {  	s13 =	sshll.u32 s13, $0x6;
	s6 =	sor.u32 s5, s26;
	_ =	strace $0x8000004A  }
0xb: {  	s7 =	ssub.s32 $0x2, s5;
	s29 =	smul.u32 $0x138800, s5;
	s13 =	sor.u32 $0x1C03, s13  }
0xc: {  	s15 =	sshrl.u32 @!p0 s15, $0x3;
	s6 =	smul.u32 $0x500, s6;
	s28 =	sshrl.u32 s7, $0x1  }
0xd: {  	s30 =	sshrl.u32 s8, $0x1;
	s11 =	sshrl.u32 s8, $0x4;
	s10 =	ssub.s32 s7, s28  }
0xe: {  	s14 =	sadd.s32 s30, s2;
	s8 =	sadd.s32 s8, s29;
	s31 =	sshrl.u32 s29, $0x4  }
0xf: {  	s7 =	sadd.s32 $0x13800, s0;
	s6 =	sadd.s32 s6, s4;
	s8 =	sshrl.u32 s8, $0x4  }
0x10: {  	s10 =	smax.u32 s10, $0x1;
	s14 =	sshrl.u32 s14, $0x3;
	s4 =	sadd.s32 $0x10800, s6  }
0x11: {  	s5 =	sadd.s32 $0x1600, s6;
	s8 =	sadd.s32 s9, s8;
	s9 =	sadd.s32 s9, s31  }
0x12: {  	s6 =	sadd.s32 s0, s11;
	s11 =	simm.s32 $0x3;
	s9 =	sadd.s32 $0x13800, s9  }
.LBB2_1:
0x13: {  	[tilespmem:s3], [sflag:$0x3] =	stream.linear.gather [hbm4b:s4+s3], $0x2800, $0x38;
	[tilespmem:$0x12AC0] =	vst v63  }
0x14: {  	_ =	swait.ge [sflag:s11], $0x2800  }
0x15: {  	[sflag:s11] =	ssyncset.done $0x0  }
0x16: {  	[sflag:s11] =	ssyncadd.s32 $0xFFFFD800  }
0x17: {  	[tilespmem:s12], [sflag:$0x3] =	stream.linear.gather [hbm4b:s5+s3], $0x2800, $0x38;
	[tilespmem:$0x12AC0] =	vst v63  }
0x18: {  	_ =	swait.ge [sflag:s11], $0x2800  }
0x19: {  	[sflag:s11] =	ssyncset.done $0x0  }
0x1a: {  	[sflag:s11] =	ssyncadd.s32 $0xFFFFD800  }
0x1b: {  	[spmem:s14], [sflag:s13] =	dma.local [hbm:s6], $0x1380  }
0x1c: {  	_ =	swait.ge [sflag:s11], $0x1380  }
0x1d: {  	[sflag:s11] =	ssyncset.done $0x0  }
0x1e: {  	s25 =	simm.s32 @!p0 $0x3;
	[sflag:s11] =	ssyncadd.s32 $0xFFFFEC80  }
0x1f: {  	[spmem:s15], [sflag:s13] =	dma.local @!p0 [hbm:s7], $0x80  }
0x20: {  	_ =	swait.ge @!p0 [sflag:s25], $0x80  }
0x21: {  	[sflag:s25] =	ssyncset.done @!p0 $0x0  }
0x22: {  	[sflag:s25] =	ssyncadd.s32 @!p0 $0xFFFFFF80  }
0x23: {  	[bflag:$0x0] =	sbarrier.arrive $0xFFFF  }
0x24: {  	[tilespmem:s17], [sflag:$0x1] =	stream.indirect.gather [hbm4b:s0+s16], $0x40, s3, s16, $0xb8;
	[tilespmem:$0x12AC0] =	vst v63  }
0x25: {  	_ = 	snop  }
0x26: {  	[tilespmem:s19], [sflag:$0x2] =	stream.indirect.gather [hbm4b:s0+s16], $0x40, s18, s16, $0xb8;
	[tilespmem:$0x12AC0] =	vst v63  }
0x27: {  	_ =	swait.ge [sflag:s20], $0x1F40  }
0x28: {  	[sflag:s20] =	ssyncset.done $0x0  }
0x29: {  	s29 =	simm.s32 $0x2800;
	[sflag:s20] =	ssyncadd.s32 $0xFFFFE0C0  }
0x2a: {  	[spmem:s2] =	stream.indirect.scatter.add.bf16 [tilespmem:s17], [sflag:$0x3], $0x40, s29, s16, $0xb8;
	[tilespmem:$0x12AC0] =	vst v63  }
0x2b: {  	_ =	swait.ge [sflag:s11], $0x1F40  }
0x2c: {  	[sflag:s11] =	ssyncset.done $0x0  }
0x2d: {  	s30 =	simm.s32 $0x100;
	[sflag:s11] =	ssyncadd.s32 $0xFFFFE0C0  }
0x2e: {  	[tilespmem:s17], [sflag:$0x1] =	stream.indirect.gather [hbm4b:s0+s16], $0x40, s30, s16, $0xb8;
	[tilespmem:$0x12AC0] =	vst v63  }
0x2f: {  	_ =	swait.ge [sflag:s21], $0x1F40  }
0x30: {  	[sflag:s21] =	ssyncset.done $0x0  }
0x31: {  	s31 =	simm.s32 $0x2880;
	[sflag:s21] =	ssyncadd.s32 $0xFFFFE0C0  }
0x32: {  	[spmem:s2] =	stream.indirect.scatter.add.bf16 [tilespmem:s19], [sflag:$0x3], $0x40, s31, s16, $0xb8;
	[tilespmem:$0x12AC0] =	vst v63  }
0x33: {  	_ =	swait.ge [sflag:s11], $0x1F40  }
0x34: {  	[sflag:s11] =	ssyncset.done $0x0  }
0x35: {  	s26 =	simm.s32 $0x180;
	s25 =	simm.s32 $0x400;
	[sflag:s11] =	ssyncadd.s32 $0xFFFFE0C0  }
.LBB2_2:
0x36: {  	[tilespmem:s19], [sflag:$0x2] =	stream.indirect.gather [hbm4b:s0+s16], $0x40, s26, s16, $0xb8;
	[tilespmem:$0x12AC0] =	vst v63  }
0x37: {  	s26 =	smov.u32 s25  }
0x38: {  	p1 =	sne.s32 s25, $0x9800;
	s25 =	sadd.s32 $0x400, s25;
	_ =	swait.ge [sflag:s20], $0x1F40  }
0x39: {  	s26 =	sshra.s32 s26, $0x2;
	[sflag:s20] =	ssyncset.done $0x0  }
0x3a: {  	s28 =	sadd.s32 $0x2800, s26;
	[sflag:s20] =	ssyncadd.s32 $0xFFFFE0C0  }
0x3b: {  	[spmem:s2] =	stream.indirect.scatter.add.bf16 [tilespmem:s17], [sflag:$0x3], $0x40, s28, s16, $0xb8;
	[tilespmem:$0x12AC0] =	vst v63  }
0x3c: {  	_ =	swait.ge [sflag:s11], $0x1F40  }
0x3d: {  	[sflag:s11] =	ssyncset.done $0x0  }
0x3e: {  	s28 =	sadd.s32 $0x100, s26;
	[sflag:s11] =	ssyncadd.s32 $0xFFFFE0C0  }
0x3f: {  	[tilespmem:s17], [sflag:$0x1] =	stream.indirect.gather [hbm4b:s0+s16], $0x40, s28, s16, $0xb8;
	[tilespmem:$0x12AC0] =	vst v63  }
0x40: {  	_ =	swait.ge [sflag:s21], $0x1F40  }
0x41: {  	[sflag:s21] =	ssyncset.done $0x0  }
.Ltmp0:
0x42: {  	s28 =	sadd.s32 $0x2880, s26;
	[sflag:s21] =	ssyncadd.s32 $0xFFFFE0C0;
	(pc) =	sbr.rel @p1 .LBB2_2-.Ltmp0, $4  }
0x43: {  	[spmem:s2] =	stream.indirect.scatter.add.bf16 [tilespmem:s19], [sflag:$0x3], $0x40, s28, s16, $0xb8;
	[tilespmem:$0x12AC0] =	vst v63  }
0x44: {  	_ =	swait.ge [sflag:s11], $0x1F40  }
0x45: {  	[sflag:s11] =	ssyncset.done $0x0  }
0x46: {  	s26 =	sadd.s32 $0x180, s26;
	[sflag:s11] =	ssyncadd.s32 $0xFFFFE0C0  }
0x47: {  	[tilespmem:s19], [sflag:$0x2] =	stream.indirect.gather [hbm4b:s0+s16], $0x40, s26, s16, $0xb8;
	[tilespmem:$0x12AC0] =	vst v63  }
0x48: {  	_ =	swait.ge [sflag:s20], $0x1F40  }
0x49: {  	[sflag:s20] =	ssyncset.done $0x0  }
0x4a: {  	[sflag:s20] =	ssyncadd.s32 $0xFFFFE0C0  }
0x4b: {  	[spmem:s2] =	stream.indirect.scatter.add.bf16 [tilespmem:s17], [sflag:$0x3], $0x40, s22, s16, $0xb8;
	[tilespmem:$0x12AC0] =	vst v63  }
0x4c: {  	_ =	swait.ge [sflag:s11], $0x1F40  }
0x4d: {  	[sflag:s11] =	ssyncset.done $0x0  }
0x4e: {  	[sflag:s11] =	ssyncadd.s32 $0xFFFFE0C0  }
0x4f: {  	_ =	swait.ge [sflag:s21], $0x1F40  }
0x50: {  	[sflag:s21] =	ssyncset.done $0x0  }
0x51: {  	[sflag:s21] =	ssyncadd.s32 $0xFFFFE0C0  }
0x52: {  	[spmem:s2] =	stream.indirect.scatter.add.bf16 [tilespmem:s19], [sflag:$0x3], $0x40, s23, s16, $0xb8;
	[tilespmem:$0x12AC0] =	vst v63  }
0x53: {  	_ =	swait.ge [sflag:s11], $0x1F40  }
0x54: {  	[sflag:s11] =	ssyncset.done $0x0  }
0x55: {  	[sflag:s11] =	ssyncadd.s32 $0xFFFFE0C0  }
0x56: {  	[bflag:$0x0] =	sbarrier.arrive $0xFFFF  }
0x57: {  	[hbm:s8], [sflag:s13] =	dma.local [spmem:s14], $0x1380  }
0x58: {  	s24 =	sadd.s32 $0x1, s24;
	_ =	swait.ge [sflag:s11], $0x1380  }
0x59: {  	p1 =	sne.s32 s24, s10;
	[sflag:s11] =	ssyncset.done $0x0  }
.Ltmp1:
0x5a: {  	s25 =	simm.s32 @!p0 $0x3;
	[sflag:s11] =	ssyncadd.s32 $0xFFFFEC80;
	(pc) =	sbr.rel @p1 .LBB2_1-.Ltmp1, $4  }
0x5b: {  	[hbm:s9], [sflag:s13] =	dma.local @!p0 [spmem:s15], $0x80  }
0x5c: {  	_ =	swait.ge @!p0 [sflag:s25], $0x80  }
0x5d: {  	[sflag:s25] =	ssyncset.done @!p0 $0x0  }
0x5e: {  	[sflag:s25] =	ssyncadd.s32 @!p0 $0xFFFFFF80  }
0x5f: {  	_ =	sfence.sel $0x180000  }
0x60: {  	[bflag:$0x0] =	sbarrier.arrive $0xFFFF  }
0x61: {  	_ =	strace $0x9000004A  }
0x62: {  	s0 =	sadd.s32 @!p0 $0x100000, s1;
	[bflag:$0x2] =	sbarrier.arrive $0xFFFF  }
0x63: {  	[sflag:s0] =	ssyncadd.tile.s32 @!p0 $0x1;
	_ =	shalt  }
.Lfunc_end2:
_tile_overlayer_lowered:
.L_overlay_start_2:
0x64: {  	(tag) =	ssettag $0x2  }
0x65: {  	s0 =	rddreg [dreg:$0x0];
	s2 =	stileid.u32  }
0x66: {  	s1 =	rddreg [dreg:$0x1];
	p0 =	sne.s32 s2, $0x0  }
0x67: {  	s3 =	rddreg [dreg:$0x2];
	[bflag:$0x3] =	sbarrier.arrive $0xFFFF;
	s2 =	simm.s32 @!p0 $0x1C03  }
0x68: {  	[timem:s3], [sflag:s2] =	dma.local @!p0 [hbm:s0], s1  }
0x69: {  	s0 =	simm.s32 @!p0 $0x3  }
0x6a: {  	_ =	swait.ge @!p0 [sflag:s0], s1  }
0x6b: {  	s1 =	ssub.s32 @!p0 $0x0, s1;
	[sflag:s0] =	ssyncset.done @!p0 $0x0  }
0x6c: {  	[sflag:s0] =	ssyncadd.s32 @!p0 s1  }
0x6d: {  	[bflag:$0x3] =	sbarrier.arrive $0xFFFF  }
0x6e: {  	_ =	shalt  }

// kernel: kernel.15.cloned.1.call-start
scs
__scs_entry_jumppad:
0x0: {  	(pc) =	sbr.rel $0x88, $3  }
0x1: {  	(tag) =	ssettag $0x0;
	lr =	simm.s32 $0x1  }
0x2: {  	[smem:$0x3F9B] =	sst lr;
	_ =	strace $0xD0000000  }
0x3: {  	_ = 	snop  }
0x4: {  	_ = 	snop  }
0x5: {  	_ = 	snop  }
0x6: {  	_ = 	snop  }
0x7: {  	_ = 	snop  }
__scs_overlays_trampoline_lowered:
0x8: {  	[smem:$0x3FAA] =	sst s0  }
0x9: {  	[smem:$0x3FAB] =	sst s1  }
0xa: {  	[smem:$0x3FAC] =	sst s2  }
0xb: {  	[smem:$0x3FAD] =	sst s3  }
0xc: {  	[smem:$0x3FAE] =	sst s4  }
0xd: {  	[smem:$0x3FAF] =	sst s5  }
0xe: {  	[smem:$0x3FB0] =	sst s6  }
0xf: {  	[smem:$0x3FB1] =	sst s7  }
0x10: {  	[smem:$0x3FB2] =	sst s8  }
0x11: {  	[smem:$0x3FB3] =	sst s9;
	s0 =	simm.s32 @!p0 $0x0  }
0x12: {  	s1 =	sld [smem:$0x3F99];
	s0 =	simm.s32 @p0 $0x1  }
0x13: {  	[smem:$0x3FB4] =	sst s0;
	s0 =	simm.s32 @!p1 $0x0  }
0x14: {  	s2 =	sld [smem:$0x3F98];
	s0 =	simm.s32 @p1 $0x1  }
0x15: {  	[smem:$0x3FB5] =	sst s0;
	s0 =	simm.s32 @!p2 $0x0  }
0x16: {  	s3 =	sld [smem:$0x3FDB];
	s0 =	simm.s32 @p2 $0x1  }
0x17: {  	s4 =	simm.s32 $0x1BF5;
	[smem:$0x3FB7] =	sst s0  }
0x18: {  	s0 =	sld [smem:$0x3F9A];
	_ =	swait.ge [sflag:s4], $0x0  }
0x19: {  	s7 =	sld [smem:$0x3F9B]  }
0x1a: {  	s8 =	sadd.s32 $0xFFFFE003, lr  }
0x1b: {  	s9 =	sadd.s32 $0xFFFFFEF7, lr;
	s5 =	simm.s32 $0xFFFFFFFF;
	p2 =	slt.u32 s8, $0xFFFFF086  }
0x1c: {  	p1 =	slt.u32 s9, $0xF7A;
	s5 =	simm.s32 @!p2 $0x0  }
0x1d: {  	s5 =	simm.s32 @p1 $0x1;
	p0 =	seq.s32 s7, s2  }
0x1e: {  	s7 =	smul.u32 @!p0 $0xF7A, s2;
	p2 =	seq.s32 @!p0 s5, $0x0  }
0x1f: {  	s9 =	smul.u32 $0xF7A, s1;
	s8 =	simm.s32 @!p0 $0x1BF5;
	p2 =	por !p2, p0  }
0x20: {  	[sflag:s8] =	ssyncset.s32 @!p0 $0xFFFFF086;
	s6 =	sadd.s32 @!p0 s3, s7;
	s7 =	simm.s32 @!p0 $0x108  }
0x21: {  	s3 =	sadd.s32 s3, s9;
	s6 =	sadd.s32 @!p0 $0x88, s6;
	s7 =	simm.s32 @p2 $0x1082  }
0x22: {  	[simem:s7], [sflag:s8] =	dma.local @!p0 [hbm:s6], $0xF7A  }
0x23: {  	s9 =	sor.u32 $0xD0000000, s2;
	s6 =	simm.s32 $0x108;
	_ =	swait.ge @!p0 [sflag:s8], $0x0  }
0x24: {  	s3 =	sadd.s32 $0x88, s3;
	s6 =	simm.s32 @!p1 $0x1082;
	[sflag:s4] =	ssyncset.s32 $0xFFFFF086  }
0x25: {  	[simem:s6], [sflag:s4] =	dma.local [hbm:s3], $0xF7A  }
0x26: {  	[smem:$0x3F9B] =	sst s1;
	(tag) =	ssettag s2;
	_ =	strace s9  }
0x27: {  	s1 =	sld [smem:$0x3FAB]  }
0x28: {  	s2 =	sld [smem:$0x3FAC]  }
0x29: {  	s4 =	sld [smem:$0x3FAE]  }
0x2a: {  	p0 =	seq.s32 s5, $0x0;
	s5 =	sld [smem:$0x3FAF]  }
0x2b: {  	s6 =	sld [smem:$0x3FB0]  }
0x2c: {  	s7 =	sld [smem:$0x3FB1]  }
0x2d: {  	s3 =	simm.s32 $0x108;
	s8 =	sld [smem:$0x3FB2]  }
0x2e: {  	s3 =	simm.s32 @!p0 $0x1082;
	s9 =	sld [smem:$0x3FB3]  }
0x2f: {  	lr =	sadd.s32 s0, s3;
	s0 =	sld [smem:$0x3FAA]  }
0x30: {  	s3 =	sld [smem:$0x3FAD]  }
0x31: {  	[smem:$0x3FB6] =	sst s10  }
0x32: {  	s10 =	sld [smem:$0x3FB4];
	_ =	sdelay $0x3  }
0x33: {  	p0 =	seq.s32 s10, $0x1;
	s10 =	sld [smem:$0x3FB6];
	_ =	sdelay $0x3  }
0x34: {  	[smem:$0x3FB6] =	sst s10  }
0x35: {  	s10 =	sld [smem:$0x3FB5];
	_ =	sdelay $0x3  }
0x36: {  	p1 =	seq.s32 s10, $0x1;
	s10 =	sld [smem:$0x3FB6];
	_ =	sdelay $0x3  }
0x37: {  	[smem:$0x3FB6] =	sst s10  }
0x38: {  	s10 =	sld [smem:$0x3FB7]  }
0x39: {  	_ = 	snop;
	(pc) =	sbr.ind lr, $3  }
0x3a: {  	_ = 	snop  }
0x3b: {  	_ = 	snop  }
0x3c: {  	p2 =	seq.s32 s10, $0x1;
	s10 =	sld [smem:$0x3FB6]  }
0x3d: {  	_ =	shalt  }
0x3e: {  	_ =	shalt  }
0x3f: {  	_ =	shalt  }
0x40: {  	_ =	shalt  }
0x41: {  	_ =	shalt  }
0x42: {  	_ =	shalt  }
0x43: {  	_ =	shalt  }
0x44: {  	_ =	shalt  }
0x45: {  	_ =	shalt  }
0x46: {  	_ =	shalt  }
0x47: {  	_ =	shalt  }
0x48: {  	_ =	shalt  }
0x49: {  	_ =	shalt  }
0x4a: {  	_ =	shalt  }
0x4b: {  	_ =	shalt  }
0x4c: {  	_ =	shalt  }
0x4d: {  	_ =	shalt  }
0x4e: {  	_ =	shalt  }
0x4f: {  	_ =	shalt  }
0x50: {  	_ =	shalt  }
0x51: {  	_ =	shalt  }
0x52: {  	_ =	shalt  }
0x53: {  	_ =	shalt  }
0x54: {  	_ =	shalt  }
0x55: {  	_ =	shalt  }
0x56: {  	_ =	shalt  }
0x57: {  	_ =	shalt  }
0x58: {  	_ =	shalt  }
0x59: {  	_ =	shalt  }
0x5a: {  	_ =	shalt  }
0x5b: {  	_ =	shalt  }
0x5c: {  	_ =	shalt  }
0x5d: {  	_ =	shalt  }
0x5e: {  	_ =	shalt  }
0x5f: {  	_ =	shalt  }
0x60: {  	_ =	shalt  }
0x61: {  	_ =	shalt  }
0x62: {  	_ =	shalt  }
0x63: {  	_ =	shalt  }
0x64: {  	_ =	shalt  }
0x65: {  	_ =	shalt  }
0x66: {  	_ =	shalt  }
0x67: {  	_ =	shalt  }
0x68: {  	_ =	shalt  }
0x69: {  	_ =	shalt  }
0x6a: {  	_ =	shalt  }
0x6b: {  	_ =	shalt  }
0x6c: {  	_ =	shalt  }
0x6d: {  	_ =	shalt  }
0x6e: {  	_ =	shalt  }
0x6f: {  	_ =	shalt  }
0x70: {  	_ =	shalt  }
0x71: {  	_ =	shalt  }
0x72: {  	_ =	shalt  }
0x73: {  	_ =	shalt  }
0x74: {  	_ =	shalt  }
0x75: {  	_ =	shalt  }
0x76: {  	_ =	shalt  }
0x77: {  	_ =	shalt  }
0x78: {  	_ =	shalt  }
0x79: {  	_ =	shalt  }
0x7a: {  	_ =	shalt  }
0x7b: {  	_ =	shalt  }
0x7c: {  	_ =	shalt  }
0x7d: {  	_ =	shalt  }
0x7e: {  	_ =	shalt  }
0x7f: {  	_ =	shalt  }
0x80: {  	_ =	shalt  }
0x81: {  	_ =	shalt  }
0x82: {  	_ =	shalt  }
0x83: {  	_ =	shalt  }
0x84: {  	_ =	shalt  }
0x85: {  	_ =	shalt  }
0x86: {  	_ =	shalt  }
0x87: {  	_ =	shalt  }
.Lfunc_end0:
.L_simem_size_0:
called_computation.2_lowered:
.L_overlay_start_0:
0x88: {  	s2 =	sld [smem:$0x3FD9]  }
0x89: {  	s3 =	sld [smem:$0x3FFE];
	_ =	sdelay $0x1  }
0x8a: {  	s1 =	srdreg.scid  }
0x8b: {  	s0 =	sand.u32 $0x1, s1  }
0x8c: {  	s17 =	sshll.u32 s0, $0xA;
	s2 =	sadd.s32 s3, s2  }
0x8d: {  	s2 =	sadd.s32 s2, s17  }
0x8e: {  	[smem:$0x3FC2] =	sst s2  }
0x8f: {  	_ = 	snop  }
0x90: {  	s2 =	sld [smem:$0x3FD0];
	(tm) =	ssettm $0x1  }
0x91: {  	s18 =	sld [smem:$0x3FFB];
	_ =	sdelay $0x3  }
0x92: {  	_ =	strace s18  }
0x93: {  	s3 =	sld [smem:$0x3FFC];
	_ =	sdelay $0x3  }
0x94: {  	_ =	strace s3  }
0x95: {  	s3 =	sld [smem:$0x3FFD];
	_ =	sdelay $0x3  }
0x96: {  	_ =	strace s3  }
0x97: {  	_ =	strace $0x8FFFFFFF  }
0x98: {  	s19 =	sld [smem:$0x3FDB];
	_ =	sdelay $0x1  }
0x99: {  	s4 =	simm.s32 $_scs_section_size  }
0x9a: {  	s5 =	simm.s32 $_size__tile_overlayer_lowered;
	s6 =	simm.s32 $_tile_overlayer_lowered  }
0x9b: {  	s22 =	simm.s32 $0x1BFF;
	s21 =	sshll.u32 s6, $0x1;
	s3 =	sadd.s32 s4, s19  }
0x9c: {  	s7 =	simm.s32 $0x0;
	s20 =	sshll.u32 s5, $0x1;
	s5 =	sadd.s32 s21, s3  }
0x9d: {  	[timem:s7], [sflag:s22] =	dma.local [hbm:s5], s20  }
0x9e: {  	_ =	swait.ge [sflag:s22], s20  }
0x9f: {  	s4 =	ssub.s32 $0x0, s20;
	[sflag:s22] =	ssyncset.done $0x0  }
0xa0: {  	[sflag:s22] =	ssyncadd.s32 s4;
	_ =	sdelay $0x1  }
0xa1: {  	s23 =	simm.s32 $0x1B8B  }
0xa2: {  	_ =	swait.ge [sflag:s23], $0x1  }
0xa3: {  	[sflag:s23] =	ssyncset.done $0x0  }
0xa4: {  	s25 =	simm.s32 $0x1B8E;
	s24 =	sld [smem:$0x3FFE];
	[sflag:s23] =	ssyncadd.s32 $0xFFFFFFFF  }
0xa5: {  	s26 =	simm.s32 $execute0_lowered;
	[smem:$0x3FD2] =	sst s25  }
0xa6: {  	s5 =	sshll.u32 s26, $0x1;
	_ =	strace $0x8000004C;
	[dreg:$0x1] =	wrdreg $0xFFFFFFFF  }
0xa7: {  	s28 =	simm.s32 $_size_execute0_lowered;
	s3 =	sadd.s32 s3, s5;
	[dreg:$0x0] =	wrdreg $0x0  }
0xa8: {  	s5 =	sshll.u32 s28, $0x1;
	[dreg:$0x2] =	wrdreg s3  }
0xa9: {  	[dreg:$0x3] =	wrdreg s5  }
0xaa: {  	[dreg:$0x4] =	wrdreg $0xC0  }
0xab: {  	_ =	task [dreg:s7], $0x5FFFF  }
0xac: {  	[dreg:$0x1] =	wrdreg $0xFFFFFFFF  }
0xad: {  	[dreg:$0x0] =	wrdreg $0x60  }
0xae: {  	[dreg:$0x2] =	wrdreg s24  }
0xaf: {  	[dreg:$0x3] =	wrdreg s2  }
0xb0: {  	[dreg:$0x4] =	wrdreg $0x6F400  }
0xb1: {  	[dreg:$0x5] =	wrdreg $0x9  }
0xb2: {  	_ =	task.clear_ibuf [dreg:s7], $0x6FFFF;
	_ =	strace $0x9000004C  }
0xb3: {  	s29 =	simm.s32 $0x9;
	_ =	strace $0x8000004E  }
0xb4: {  	_ =	swait.ge [sflag:s29], $0x1  }
0xb5: {  	[sflag:s29] =	ssyncadd.s32 $0xFFFFFFFF  }
0xb6: {  	_ =	strace $0x9000004E  }
0xb7: {  	_ =	sfence  }
0xb8: {  	s30 =	sld [smem:$0x0];
	_ =	sdelay $0x2  }
0xb9: {  	s31 =	sshll.u32 s1, $0xD;
	s1 =	sshrl.u32 s1, $0x2  }
0xba: {  	s3 =	sand.u32 $0x4000, s31;
	s1 =	sadd.s32 s1, s30  }
0xbb: {  	s0 =	sor.u32 s3, s0;
	s1 =	sshll.u32 s1, $0x11  }
0xbc: {  	s0 =	sor.u32 s1, s0  }
0xbd: {  	s0 =	sadd.s32 $0x8F2B, s0  }
0xbe: {  	[sflag:s0] =	ssyncadd.remote.s32 $0x1  }
0xbf: {  	_ =	sfence.sel $0xFFFF  }
0xc0: {  	[dreg:$0x0] =	wrdreg $0xFFFFFFFF;
	(pc) =	sbr.abs _section_cstart, $3  }
0xc1: {  	[dreg:$0x1] =	wrdreg $0xFFFFFFFF  }
0xc2: {  	_ =	task.clear_ibuf [dreg:s7], $0x2FFFF;
	_ =	strace $0x9FFFFFFF  }
0xc3: {  	(tm) =	ssettm $0x7FFFFFFF  }
tec
execute0_lowered:
.L_overlay_start_1:
0x0: {  	(tag) =	ssettag $0x1  }
0x1: {  	s7 =	rddreg [dreg:$0x0]  }
0x2: {  	s9 =	rddreg [dreg:$0x1];
	s0 =	srdreg.scid  }
0x3: {  	s13 =	stileid.u32;
	s1 =	rddreg [dreg:$0x2];
	s2 =	simm.s32 $0x0  }
0x4: {  	s16 =	simm.s32 $0x7D;
	s17 =	simm.s32 $0x5000;
	s18 =	simm.s32 $0x80  }
0x5: {  	s19 =	simm.s32 $0x5FA0;
	s20 =	simm.s32 $0x1;
	s21 =	simm.s32 $0x2  }
0x6: {  	s22 =	simm.s32 $0x4F00;
	s23 =	simm.s32 $0x4F80;
	s24 =	simm.s32 $0x0  }
0x7: {  	s5 =	sand.u32 $0x1, s0;
	s3 =	sshll.u32 s13, $0x1;
	s0 =	rddreg [dreg:$0x3]  }
0x8: {  	[smem:$0x7FF] =	sst s2;
	s10 =	smul.u32 $0x9C00, s13;
	s15 =	sadd.s32 $0x4E000, s1  }
0x9: {  	p0 =	sne.s32 s13, $0x0;
	s13 =	sshll.u32 s13, $0x6;
	s3 =	sor.u32 s5, s3  }
0xa: {  	_ =	strace $0x8000004D;
	s6 =	ssub.s32 $0x2, s5;
	s12 =	smul.u32 $0x9C400, s5  }
0xb: {  	s13 =	sor.u32 $0x1C03, s13;
	s15 =	sshrl.u32 @!p0 s15, $0x3;
	s4 =	smul.u32 $0x500, s3  }
0xc: {  	s3 =	sadd.s32 $0x68A00, s7;
	s26 =	sshrl.u32 s6, $0x1;
	s28 =	sshrl.u32 s10, $0x1  }
0xd: {  	s29 =	sshrl.u32 s10, $0x4;
	s11 =	ssub.s32 s6, s26;
	s14 =	sadd.s32 s28, s1  }
0xe: {  	s6 =	sadd.s32 s3, s29;
	s30 =	sadd.s32 s10, s12;
	s31 =	sshrl.u32 s12, $0x4  }
0xf: {  	s12 =	simm.s32 $0x2800;
	s8 =	sadd.s32 s4, s7;
	s7 =	sadd.s32 $0x72600, s7  }
0x10: {  	s4 =	sadd.s32 $0x10800, s8;
	s5 =	sadd.s32 $0x1600, s8;
	s8 =	sshrl.u32 s30, $0x4  }
0x11: {  	s10 =	smax.u32 s11, $0x1;
	s8 =	sadd.s32 s9, s8;
	s9 =	sadd.s32 s9, s31  }
0x12: {  	s11 =	simm.s32 $0x3;
	s14 =	sshrl.u32 s14, $0x3;
	s9 =	sadd.s32 $0x9C00, s9  }
.LBB2_1:
0x13: {  	[tilespmem:s2], [sflag:$0x3] =	stream.linear.gather [hbm4b:s4+s2], $0x2800, $0x38;
	[tilespmem:$0xBD60] =	vst v63  }
0x14: {  	_ =	swait.ge [sflag:s11], $0x2800  }
0x15: {  	[sflag:s11] =	ssyncset.done $0x0  }
0x16: {  	[sflag:s11] =	ssyncadd.s32 $0xFFFFD800  }
0x17: {  	[tilespmem:s12], [sflag:$0x3] =	stream.linear.gather [hbm4b:s5+s2], $0x2800, $0x38;
	[tilespmem:$0xBD60] =	vst v63  }
0x18: {  	_ =	swait.ge [sflag:s11], $0x2800  }
0x19: {  	[sflag:s11] =	ssyncset.done $0x0  }
0x1a: {  	[sflag:s11] =	ssyncadd.s32 $0xFFFFD800  }
0x1b: {  	[spmem:s14], [sflag:s13] =	dma.local [hbm:s6], $0x9C0  }
0x1c: {  	_ =	swait.ge [sflag:s11], $0x9C0  }
0x1d: {  	[sflag:s11] =	ssyncset.done $0x0  }
0x1e: {  	s25 =	simm.s32 @!p0 $0x3;
	[sflag:s11] =	ssyncadd.s32 $0xFFFFF640  }
0x1f: {  	[spmem:s15], [sflag:s13] =	dma.local @!p0 [hbm:s7], $0x40  }
0x20: {  	_ =	swait.ge @!p0 [sflag:s25], $0x40  }
0x21: {  	[sflag:s25] =	ssyncset.done @!p0 $0x0  }
0x22: {  	[sflag:s25] =	ssyncadd.s32 @!p0 $0xFFFFFFC0  }
0x23: {  	[bflag:$0x0] =	sbarrier.arrive $0xFFFF  }
0x24: {  	[tilespmem:s17], [sflag:$0x1] =	stream.indirect.gather [hbm4b:s3+s16], $0x20, s2, s16, $0xb8;
	[tilespmem:$0xBD60] =	vst v63  }
0x25: {  	_ = 	snop  }
0x26: {  	[tilespmem:s19], [sflag:$0x2] =	stream.indirect.gather [hbm4b:s3+s16], $0x20, s18, s16, $0xb8;
	[tilespmem:$0xBD60] =	vst v63  }
0x27: {  	_ =	swait.ge [sflag:s20], $0xFA0  }
0x28: {  	[sflag:s20] =	ssyncset.done $0x0  }
0x29: {  	s29 =	simm.s32 $0x2800;
	[sflag:s20] =	ssyncadd.s32 $0xFFFFF060  }
0x2a: {  	[spmem:s1] =	stream.indirect.scatter.add.bf16 [tilespmem:s17], [sflag:$0x3], $0x20, s29, s16, $0xb8;
	[tilespmem:$0xBD60] =	vst v63  }
0x2b: {  	_ =	swait.ge [sflag:s11], $0xFA0  }
0x2c: {  	[sflag:s11] =	ssyncset.done $0x0  }
0x2d: {  	s30 =	simm.s32 $0x100;
	[sflag:s11] =	ssyncadd.s32 $0xFFFFF060  }
0x2e: {  	[tilespmem:s17], [sflag:$0x1] =	stream.indirect.gather [hbm4b:s3+s16], $0x20, s30, s16, $0xb8;
	[tilespmem:$0xBD60] =	vst v63  }
0x2f: {  	_ =	swait.ge [sflag:s21], $0xFA0  }
0x30: {  	[sflag:s21] =	ssyncset.done $0x0  }
0x31: {  	s31 =	simm.s32 $0x2880;
	[sflag:s21] =	ssyncadd.s32 $0xFFFFF060  }
0x32: {  	[spmem:s1] =	stream.indirect.scatter.add.bf16 [tilespmem:s19], [sflag:$0x3], $0x20, s31, s16, $0xb8;
	[tilespmem:$0xBD60] =	vst v63  }
0x33: {  	_ =	swait.ge [sflag:s11], $0xFA0  }
0x34: {  	[sflag:s11] =	ssyncset.done $0x0  }
0x35: {  	s26 =	simm.s32 $0x180;
	s25 =	simm.s32 $0x400;
	[sflag:s11] =	ssyncadd.s32 $0xFFFFF060  }
.LBB2_2:
0x36: {  	[tilespmem:s19], [sflag:$0x2] =	stream.indirect.gather [hbm4b:s3+s16], $0x20, s26, s16, $0xb8;
	[tilespmem:$0xBD60] =	vst v63  }
0x37: {  	s26 =	smov.u32 s25  }
0x38: {  	p1 =	sne.s32 s25, $0x9800;
	s25 =	sadd.s32 $0x400, s25;
	_ =	swait.ge [sflag:s20], $0xFA0  }
0x39: {  	s26 =	sshra.s32 s26, $0x2;
	[sflag:s20] =	ssyncset.done $0x0  }
0x3a: {  	s28 =	sadd.s32 $0x2800, s26;
	[sflag:s20] =	ssyncadd.s32 $0xFFFFF060  }
0x3b: {  	[spmem:s1] =	stream.indirect.scatter.add.bf16 [tilespmem:s17], [sflag:$0x3], $0x20, s28, s16, $0xb8;
	[tilespmem:$0xBD60] =	vst v63  }
0x3c: {  	_ =	swait.ge [sflag:s11], $0xFA0  }
0x3d: {  	[sflag:s11] =	ssyncset.done $0x0  }
0x3e: {  	s28 =	sadd.s32 $0x100, s26;
	[sflag:s11] =	ssyncadd.s32 $0xFFFFF060  }
0x3f: {  	[tilespmem:s17], [sflag:$0x1] =	stream.indirect.gather [hbm4b:s3+s16], $0x20, s28, s16, $0xb8;
	[tilespmem:$0xBD60] =	vst v63  }
0x40: {  	_ =	swait.ge [sflag:s21], $0xFA0  }
0x41: {  	[sflag:s21] =	ssyncset.done $0x0  }
.Ltmp0:
0x42: {  	s28 =	sadd.s32 $0x2880, s26;
	[sflag:s21] =	ssyncadd.s32 $0xFFFFF060;
	(pc) =	sbr.rel @p1 .LBB2_2-.Ltmp0, $4  }
0x43: {  	[spmem:s1] =	stream.indirect.scatter.add.bf16 [tilespmem:s19], [sflag:$0x3], $0x20, s28, s16, $0xb8;
	[tilespmem:$0xBD60] =	vst v63  }
0x44: {  	_ =	swait.ge [sflag:s11], $0xFA0  }
0x45: {  	[sflag:s11] =	ssyncset.done $0x0  }
0x46: {  	s26 =	sadd.s32 $0x180, s26;
	[sflag:s11] =	ssyncadd.s32 $0xFFFFF060  }
0x47: {  	[tilespmem:s19], [sflag:$0x2] =	stream.indirect.gather [hbm4b:s3+s16], $0x20, s26, s16, $0xb8;
	[tilespmem:$0xBD60] =	vst v63  }
0x48: {  	_ =	swait.ge [sflag:s20], $0xFA0  }
0x49: {  	[sflag:s20] =	ssyncset.done $0x0  }
0x4a: {  	[sflag:s20] =	ssyncadd.s32 $0xFFFFF060  }
0x4b: {  	[spmem:s1] =	stream.indirect.scatter.add.bf16 [tilespmem:s17], [sflag:$0x3], $0x20, s22, s16, $0xb8;
	[tilespmem:$0xBD60] =	vst v63  }
0x4c: {  	_ =	swait.ge [sflag:s11], $0xFA0  }
0x4d: {  	[sflag:s11] =	ssyncset.done $0x0  }
0x4e: {  	[sflag:s11] =	ssyncadd.s32 $0xFFFFF060  }
0x4f: {  	_ =	swait.ge [sflag:s21], $0xFA0  }
0x50: {  	[sflag:s21] =	ssyncset.done $0x0  }
0x51: {  	[sflag:s21] =	ssyncadd.s32 $0xFFFFF060  }
0x52: {  	[spmem:s1] =	stream.indirect.scatter.add.bf16 [tilespmem:s19], [sflag:$0x3], $0x20, s23, s16, $0xb8;
	[tilespmem:$0xBD60] =	vst v63  }
0x53: {  	_ =	swait.ge [sflag:s11], $0xFA0  }
0x54: {  	[sflag:s11] =	ssyncset.done $0x0  }
0x55: {  	[sflag:s11] =	ssyncadd.s32 $0xFFFFF060  }
0x56: {  	[bflag:$0x0] =	sbarrier.arrive $0xFFFF  }
0x57: {  	[hbm:s8], [sflag:s13] =	dma.local [spmem:s14], $0x9C0  }
0x58: {  	s24 =	sadd.s32 $0x1, s24;
	_ =	swait.ge [sflag:s11], $0x9C0  }
0x59: {  	p1 =	sne.s32 s24, s10;
	[sflag:s11] =	ssyncset.done $0x0  }
.Ltmp1:
0x5a: {  	s25 =	simm.s32 @!p0 $0x3;
	[sflag:s11] =	ssyncadd.s32 $0xFFFFF640;
	(pc) =	sbr.rel @p1 .LBB2_1-.Ltmp1, $4  }
0x5b: {  	[hbm:s9], [sflag:s13] =	dma.local @!p0 [spmem:s15], $0x40  }
0x5c: {  	_ =	swait.ge @!p0 [sflag:s25], $0x40  }
0x5d: {  	[sflag:s25] =	ssyncset.done @!p0 $0x0  }
0x5e: {  	[sflag:s25] =	ssyncadd.s32 @!p0 $0xFFFFFFC0  }
0x5f: {  	_ =	sfence.sel $0x180000  }
0x60: {  	[bflag:$0x0] =	sbarrier.arrive $0xFFFF  }
0x61: {  	_ =	strace $0x9000004D  }
0x62: {  	s0 =	sadd.s32 @!p0 $0x100000, s0;
	[bflag:$0x2] =	sbarrier.arrive $0xFFFF  }
0x63: {  	[sflag:s0] =	ssyncadd.tile.s32 @!p0 $0x1;
	_ =	shalt  }
.Lfunc_end2:
_tile_overlayer_lowered:
.L_overlay_start_2:
0x64: {  	(tag) =	ssettag $0x2  }
0x65: {  	s0 =	rddreg [dreg:$0x0];
	s2 =	stileid.u32  }
0x66: {  	s1 =	rddreg [dreg:$0x1];
	p0 =	sne.s32 s2, $0x0  }
0x67: {  	s3 =	rddreg [dreg:$0x2];
	[bflag:$0x3] =	sbarrier.arrive $0xFFFF;
	s2 =	simm.s32 @!p0 $0x1C03  }
0x68: {  	[timem:s3], [sflag:s2] =	dma.local @!p0 [hbm:s0], s1  }
0x69: {  	s0 =	simm.s32 @!p0 $0x3  }
0x6a: {  	_ =	swait.ge @!p0 [sflag:s0], s1  }
0x6b: {  	s1 =	ssub.s32 @!p0 $0x0, s1;
	[sflag:s0] =	ssyncset.done @!p0 $0x0  }
0x6c: {  	[sflag:s0] =	ssyncadd.s32 @!p0 s1  }
0x6d: {  	[bflag:$0x3] =	sbarrier.arrive $0xFFFF  }
0x6e: {  	_ =	shalt  }

// kernel: kernel.9.cloned.1.call-start
scs
__scs_entry_jumppad:
0x0: {  	(pc) =	sbr.rel $0x88, $3  }
0x1: {  	(tag) =	ssettag $0x0;
	lr =	simm.s32 $0x1  }
0x2: {  	[smem:$0x3F9B] =	sst lr;
	_ =	strace $0xD0000000  }
0x3: {  	_ = 	snop  }
0x4: {  	_ = 	snop  }
0x5: {  	_ = 	snop  }
0x6: {  	_ = 	snop  }
0x7: {  	_ = 	snop  }
__scs_overlays_trampoline_lowered:
0x8: {  	[smem:$0x3FAA] =	sst s0  }
0x9: {  	[smem:$0x3FAB] =	sst s1  }
0xa: {  	[smem:$0x3FAC] =	sst s2  }
0xb: {  	[smem:$0x3FAD] =	sst s3  }
0xc: {  	[smem:$0x3FAE] =	sst s4  }
0xd: {  	[smem:$0x3FAF] =	sst s5  }
0xe: {  	[smem:$0x3FB0] =	sst s6  }
0xf: {  	[smem:$0x3FB1] =	sst s7  }
0x10: {  	[smem:$0x3FB2] =	sst s8  }
0x11: {  	[smem:$0x3FB3] =	sst s9;
	s0 =	simm.s32 @!p0 $0x0  }
0x12: {  	s1 =	sld [smem:$0x3F99];
	s0 =	simm.s32 @p0 $0x1  }
0x13: {  	[smem:$0x3FB4] =	sst s0;
	s0 =	simm.s32 @!p1 $0x0  }
0x14: {  	s2 =	sld [smem:$0x3F98];
	s0 =	simm.s32 @p1 $0x1  }
0x15: {  	[smem:$0x3FB5] =	sst s0;
	s0 =	simm.s32 @!p2 $0x0  }
0x16: {  	s3 =	sld [smem:$0x3FDB];
	s0 =	simm.s32 @p2 $0x1  }
0x17: {  	s4 =	simm.s32 $0x1BF5;
	[smem:$0x3FB7] =	sst s0  }
0x18: {  	s0 =	sld [smem:$0x3F9A];
	_ =	swait.ge [sflag:s4], $0x0  }
0x19: {  	s7 =	sld [smem:$0x3F9B]  }
0x1a: {  	s8 =	sadd.s32 $0xFFFFE003, lr  }
0x1b: {  	s9 =	sadd.s32 $0xFFFFFEF7, lr;
	s5 =	simm.s32 $0xFFFFFFFF;
	p2 =	slt.u32 s8, $0xFFFFF086  }
0x1c: {  	p1 =	slt.u32 s9, $0xF7A;
	s5 =	simm.s32 @!p2 $0x0  }
0x1d: {  	s5 =	simm.s32 @p1 $0x1;
	p0 =	seq.s32 s7, s2  }
0x1e: {  	s7 =	smul.u32 @!p0 $0xF7A, s2;
	p2 =	seq.s32 @!p0 s5, $0x0  }
0x1f: {  	s9 =	smul.u32 $0xF7A, s1;
	s8 =	simm.s32 @!p0 $0x1BF5;
	p2 =	por !p2, p0  }
0x20: {  	[sflag:s8] =	ssyncset.s32 @!p0 $0xFFFFF086;
	s6 =	sadd.s32 @!p0 s3, s7;
	s7 =	simm.s32 @!p0 $0x108  }
0x21: {  	s3 =	sadd.s32 s3, s9;
	s6 =	sadd.s32 @!p0 $0x88, s6;
	s7 =	simm.s32 @p2 $0x1082  }
0x22: {  	[simem:s7], [sflag:s8] =	dma.local @!p0 [hbm:s6], $0xF7A  }
0x23: {  	s9 =	sor.u32 $0xD0000000, s2;
	s6 =	simm.s32 $0x108;
	_ =	swait.ge @!p0 [sflag:s8], $0x0  }
0x24: {  	s3 =	sadd.s32 $0x88, s3;
	s6 =	simm.s32 @!p1 $0x1082;
	[sflag:s4] =	ssyncset.s32 $0xFFFFF086  }
0x25: {  	[simem:s6], [sflag:s4] =	dma.local [hbm:s3], $0xF7A  }
0x26: {  	[smem:$0x3F9B] =	sst s1;
	(tag) =	ssettag s2;
	_ =	strace s9  }
0x27: {  	s1 =	sld [smem:$0x3FAB]  }
0x28: {  	s2 =	sld [smem:$0x3FAC]  }
0x29: {  	s4 =	sld [smem:$0x3FAE]  }
0x2a: {  	p0 =	seq.s32 s5, $0x0;
	s5 =	sld [smem:$0x3FAF]  }
0x2b: {  	s6 =	sld [smem:$0x3FB0]  }
0x2c: {  	s7 =	sld [smem:$0x3FB1]  }
0x2d: {  	s3 =	simm.s32 $0x108;
	s8 =	sld [smem:$0x3FB2]  }
0x2e: {  	s3 =	simm.s32 @!p0 $0x1082;
	s9 =	sld [smem:$0x3FB3]  }
0x2f: {  	lr =	sadd.s32 s0, s3;
	s0 =	sld [smem:$0x3FAA]  }
0x30: {  	s3 =	sld [smem:$0x3FAD]  }
0x31: {  	[smem:$0x3FB6] =	sst s10  }
0x32: {  	s10 =	sld [smem:$0x3FB4];
	_ =	sdelay $0x3  }
0x33: {  	p0 =	seq.s32 s10, $0x1;
	s10 =	sld [smem:$0x3FB6];
	_ =	sdelay $0x3  }
0x34: {  	[smem:$0x3FB6] =	sst s10  }
0x35: {  	s10 =	sld [smem:$0x3FB5];
	_ =	sdelay $0x3  }
0x36: {  	p1 =	seq.s32 s10, $0x1;
	s10 =	sld [smem:$0x3FB6];
	_ =	sdelay $0x3  }
0x37: {  	[smem:$0x3FB6] =	sst s10  }
0x38: {  	s10 =	sld [smem:$0x3FB7]  }
0x39: {  	_ = 	snop;
	(pc) =	sbr.ind lr, $3  }
0x3a: {  	_ = 	snop  }
0x3b: {  	_ = 	snop  }
0x3c: {  	p2 =	seq.s32 s10, $0x1;
	s10 =	sld [smem:$0x3FB6]  }
0x3d: {  	_ =	shalt  }
0x3e: {  	_ =	shalt  }
0x3f: {  	_ =	shalt  }
0x40: {  	_ =	shalt  }
0x41: {  	_ =	shalt  }
0x42: {  	_ =	shalt  }
0x43: {  	_ =	shalt  }
0x44: {  	_ =	shalt  }
0x45: {  	_ =	shalt  }
0x46: {  	_ =	shalt  }
0x47: {  	_ =	shalt  }
0x48: {  	_ =	shalt  }
0x49: {  	_ =	shalt  }
0x4a: {  	_ =	shalt  }
0x4b: {  	_ =	shalt  }
0x4c: {  	_ =	shalt  }
0x4d: {  	_ =	shalt  }
0x4e: {  	_ =	shalt  }
0x4f: {  	_ =	shalt  }
0x50: {  	_ =	shalt  }
0x51: {  	_ =	shalt  }
0x52: {  	_ =	shalt  }
0x53: {  	_ =	shalt  }
0x54: {  	_ =	shalt  }
0x55: {  	_ =	shalt  }
0x56: {  	_ =	shalt  }
0x57: {  	_ =	shalt  }
0x58: {  	_ =	shalt  }
0x59: {  	_ =	shalt  }
0x5a: {  	_ =	shalt  }
0x5b: {  	_ =	shalt  }
0x5c: {  	_ =	shalt  }
0x5d: {  	_ =	shalt  }
0x5e: {  	_ =	shalt  }
0x5f: {  	_ =	shalt  }
0x60: {  	_ =	shalt  }
0x61: {  	_ =	shalt  }
0x62: {  	_ =	shalt  }
0x63: {  	_ =	shalt  }
0x64: {  	_ =	shalt  }
0x65: {  	_ =	shalt  }
0x66: {  	_ =	shalt  }
0x67: {  	_ =	shalt  }
0x68: {  	_ =	shalt  }
0x69: {  	_ =	shalt  }
0x6a: {  	_ =	shalt  }
0x6b: {  	_ =	shalt  }
0x6c: {  	_ =	shalt  }
0x6d: {  	_ =	shalt  }
0x6e: {  	_ =	shalt  }
0x6f: {  	_ =	shalt  }
0x70: {  	_ =	shalt  }
0x71: {  	_ =	shalt  }
0x72: {  	_ =	shalt  }
0x73: {  	_ =	shalt  }
0x74: {  	_ =	shalt  }
0x75: {  	_ =	shalt  }
0x76: {  	_ =	shalt  }
0x77: {  	_ =	shalt  }
0x78: {  	_ =	shalt  }
0x79: {  	_ =	shalt  }
0x7a: {  	_ =	shalt  }
0x7b: {  	_ =	shalt  }
0x7c: {  	_ =	shalt  }
0x7d: {  	_ =	shalt  }
0x7e: {  	_ =	shalt  }
0x7f: {  	_ =	shalt  }
0x80: {  	_ =	shalt  }
0x81: {  	_ =	shalt  }
0x82: {  	_ =	shalt  }
0x83: {  	_ =	shalt  }
0x84: {  	_ =	shalt  }
0x85: {  	_ =	shalt  }
0x86: {  	_ =	shalt  }
0x87: {  	_ =	shalt  }
.Lfunc_end0:
.L_simem_size_0:
called_computation_lowered:
.L_overlay_start_0:
0x88: {  	s2 =	sld [smem:$0x3FD9]  }
0x89: {  	s3 =	sld [smem:$0x3FFE];
	_ =	sdelay $0x1  }
0x8a: {  	s1 =	srdreg.scid  }
0x8b: {  	s0 =	sand.u32 $0x1, s1  }
0x8c: {  	s17 =	sshll.u32 s0, $0xA;
	s2 =	sadd.s32 s3, s2  }
0x8d: {  	s2 =	sadd.s32 s2, s17  }
0x8e: {  	[smem:$0x3FC2] =	sst s2  }
0x8f: {  	_ = 	snop  }
0x90: {  	s2 =	sld [smem:$0x3FD0];
	(tm) =	ssettm $0x1  }
0x91: {  	s18 =	sld [smem:$0x3FFB];
	_ =	sdelay $0x3  }
0x92: {  	_ =	strace s18  }
0x93: {  	s3 =	sld [smem:$0x3FFC];
	_ =	sdelay $0x3  }
0x94: {  	_ =	strace s3  }
0x95: {  	s3 =	sld [smem:$0x3FFD];
	_ =	sdelay $0x3  }
0x96: {  	_ =	strace s3  }
0x97: {  	_ =	strace $0x8FFFFFFF  }
0x98: {  	s19 =	sld [smem:$0x3FDB];
	_ =	sdelay $0x1  }
0x99: {  	s4 =	simm.s32 $_scs_section_size  }
0x9a: {  	s5 =	simm.s32 $_size__tile_overlayer_lowered;
	s6 =	simm.s32 $_tile_overlayer_lowered  }
0x9b: {  	s22 =	simm.s32 $0x1BFF;
	s21 =	sshll.u32 s6, $0x1;
	s3 =	sadd.s32 s4, s19  }
0x9c: {  	s7 =	simm.s32 $0x0;
	s20 =	sshll.u32 s5, $0x1;
	s5 =	sadd.s32 s21, s3  }
0x9d: {  	[timem:s7], [sflag:s22] =	dma.local [hbm:s5], s20  }
0x9e: {  	_ =	swait.ge [sflag:s22], s20  }
0x9f: {  	s4 =	ssub.s32 $0x0, s20;
	[sflag:s22] =	ssyncset.done $0x0  }
0xa0: {  	[sflag:s22] =	ssyncadd.s32 s4;
	_ =	sdelay $0x1  }
0xa1: {  	s23 =	simm.s32 $0x1B8B  }
0xa2: {  	_ =	swait.ge [sflag:s23], $0x1  }
0xa3: {  	[sflag:s23] =	ssyncset.done $0x0  }
0xa4: {  	s25 =	simm.s32 $0x1B8E;
	s24 =	sld [smem:$0x3FFE];
	[sflag:s23] =	ssyncadd.s32 $0xFFFFFFFF  }
0xa5: {  	s26 =	simm.s32 $execute0_lowered;
	[smem:$0x3FD2] =	sst s25  }
0xa6: {  	s5 =	sshll.u32 s26, $0x1;
	_ =	strace $0x80000046;
	[dreg:$0x1] =	wrdreg $0xFFFFFFFF  }
0xa7: {  	s28 =	simm.s32 $_size_execute0_lowered;
	s3 =	sadd.s32 s3, s5;
	[dreg:$0x0] =	wrdreg $0x0  }
0xa8: {  	s5 =	sshll.u32 s28, $0x1;
	[dreg:$0x2] =	wrdreg s3  }
0xa9: {  	[dreg:$0x3] =	wrdreg s5  }
0xaa: {  	[dreg:$0x4] =	wrdreg $0xC0  }
0xab: {  	_ =	task [dreg:s7], $0x5FFFF  }
0xac: {  	[dreg:$0x1] =	wrdreg $0xFFFFFFFF  }
0xad: {  	[dreg:$0x0] =	wrdreg $0x60  }
0xae: {  	[dreg:$0x2] =	wrdreg s24  }
0xaf: {  	[dreg:$0x3] =	wrdreg s2  }
0xb0: {  	[dreg:$0x4] =	wrdreg $0x2FD00  }
0xb1: {  	[dreg:$0x5] =	wrdreg $0x9  }
0xb2: {  	_ =	task.clear_ibuf [dreg:s7], $0x6FFFF;
	_ =	strace $0x90000046  }
0xb3: {  	s29 =	simm.s32 $0x9;
	_ =	strace $0x80000048  }
0xb4: {  	_ =	swait.ge [sflag:s29], $0x1  }
0xb5: {  	[sflag:s29] =	ssyncadd.s32 $0xFFFFFFFF  }
0xb6: {  	_ =	strace $0x90000048  }
0xb7: {  	_ =	sfence  }
0xb8: {  	s30 =	sld [smem:$0x0];
	_ =	sdelay $0x2  }
0xb9: {  	s31 =	sshll.u32 s1, $0xD;
	s1 =	sshrl.u32 s1, $0x2  }
0xba: {  	s3 =	sand.u32 $0x4000, s31;
	s1 =	sadd.s32 s1, s30  }
0xbb: {  	s0 =	sor.u32 s3, s0;
	s1 =	sshll.u32 s1, $0x11  }
0xbc: {  	s0 =	sor.u32 s1, s0  }
0xbd: {  	s0 =	sadd.s32 $0x8F2B, s0  }
0xbe: {  	[sflag:s0] =	ssyncadd.remote.s32 $0x1  }
0xbf: {  	_ =	sfence.sel $0xFFFF  }
0xc0: {  	[dreg:$0x0] =	wrdreg $0xFFFFFFFF;
	(pc) =	sbr.abs _section_cstart, $3  }
0xc1: {  	[dreg:$0x1] =	wrdreg $0xFFFFFFFF  }
0xc2: {  	_ =	task.clear_ibuf [dreg:s7], $0x2FFFF;
	_ =	strace $0x9FFFFFFF  }
0xc3: {  	(tm) =	ssettm $0x7FFFFFFF  }
tec
execute0_lowered:
.L_overlay_start_1:
0x0: {  	(tag) =	ssettag $0x1  }
0x1: {  	s6 =	rddreg [dreg:$0x0];
	s0 =	srdreg.scid  }
0x2: {  	s11 =	stileid.u32;
	s7 =	rddreg [dreg:$0x1]  }
0x3: {  	s1 =	rddreg [dreg:$0x2];
	s2 =	simm.s32 $0x0;
	s15 =	simm.s32 $0x7D  }
0x4: {  	s16 =	simm.s32 $0x0;
	s4 =	sand.u32 $0x1, s0;
	s0 =	rddreg [dreg:$0x3]  }
0x5: {  	s28 =	sshll.u32 s11, $0x1;
	[smem:$0x7FF] =	sst s2;
	s8 =	smul.u32 $0x2700, s11  }
0x6: {  	s14 =	sadd.s32 $0x27000, s1;
	p0 =	sne.s32 s11, $0x0;
	s31 =	sshll.u32 s11, $0x6  }
0x7: {  	s11 =	simm.s32 $0x2800;
	s3 =	sor.u32 s4, s28;
	_ =	strace $0x80000047  }
0x8: {  	s9 =	ssub.s32 $0x2, s4;
	s29 =	smul.u32 $0x27100, s4;
	s14 =	sshrl.u32 @!p0 s14, $0x3  }
0x9: {  	s3 =	smul.u32 $0x500, s3;
	s10 =	sshrl.u32 s8, $0x3;
	s12 =	sshrl.u32 s9, $0x1  }
0xa: {  	s13 =	sadd.s32 s8, s1;
	s10 =	sadd.s32 s10, s6;
	s9 =	ssub.s32 s9, s12  }
0xb: {  	s8 =	sadd.s32 s8, s29;
	s30 =	sshrl.u32 s29, $0x3;
	s12 =	sor.u32 $0x1C01, s31  }
0xc: {  	s13 =	sshrl.u32 s13, $0x3;
	s5 =	sadd.s32 s3, s6;
	s3 =	sadd.s32 $0x10600, s6  }
0xd: {  	s6 =	sadd.s32 $0x10400, s6;
	s8 =	sshrl.u32 s8, $0x3;
	s9 =	smax.u32 s9, $0x1  }
0xe: {  	s4 =	sadd.s32 $0x1600, s5;
	s5 =	sadd.s32 $0xB600, s10;
	s10 =	sadd.s32 s7, s30  }
0xf: {  	s7 =	sadd.s32 s7, s8;
	s8 =	sadd.s32 $0x4E00, s10;
	s10 =	simm.s32 $0x1  }
.LBB2_1:
0x10: {  	[tilespmem:s2], [sflag:$0x1] =	stream.linear.gather [hbm4b:s4+s2], $0x2800, $0x38;
	[tilespmem:$0x56E0] =	vst v63  }
0x11: {  	_ =	swait.ge [sflag:s10], $0x2800  }
0x12: {  	[sflag:s10] =	ssyncset.done $0x0  }
0x13: {  	[sflag:s10] =	ssyncadd.s32 $0xFFFFD800  }
0x14: {  	[tilespmem:s11], [sflag:$0x1] =	stream.linear.gather [hbm4b:s3+s2], $0x7D0, $0x38;
	[tilespmem:$0x56E0] =	vst v63  }
0x15: {  	_ =	swait.ge [sflag:s10], $0x7D0  }
0x16: {  	[sflag:s10] =	ssyncset.done $0x0  }
0x17: {  	[sflag:s10] =	ssyncadd.s32 $0xFFFFF830  }
0x18: {  	[spmem:s13], [sflag:s12] =	dma.local [hbm:s5], $0x4E0  }
0x19: {  	_ =	swait.ge [sflag:s10], $0x4E0  }
0x1a: {  	[sflag:s10] =	ssyncset.done $0x0  }
0x1b: {  	s17 =	simm.s32 @!p0 $0x1;
	[sflag:s10] =	ssyncadd.s32 $0xFFFFFB20  }
0x1c: {  	[spmem:s14], [sflag:s12] =	dma.local @!p0 [hbm:s6], $0x20  }
0x1d: {  	_ =	swait.ge @!p0 [sflag:s17], $0x20  }
0x1e: {  	[sflag:s17] =	ssyncset.done @!p0 $0x0  }
0x1f: {  	[sflag:s17] =	ssyncadd.s32 @!p0 $0xFFFFFFE0  }
0x20: {  	s31 =	simm.s32 $0x0;
	[bflag:$0x0] =	sbarrier.arrive $0xFFFF  }
0x21: {  	[spmem:s1] =	stream.indirect.scatter.add.f32 [tilespmem:s11], [sflag:$0x1], $0x10, s31, s15, $0xb8;
	[tilespmem:$0x56E0] =	vst v63  }
0x22: {  	_ =	swait.ge [sflag:s10], $0x7D0  }
0x23: {  	s17 =	simm.s32 $0x200;
	[sflag:s10] =	ssyncset.done $0x0  }
.LBB2_2:
0x24: {  	s18 =	sshra.s32 s17, $0x2;
	[sflag:s10] =	ssyncadd.s32 $0xFFFFF830;
	p1 =	sne.s32 s17, $0x9E00  }
0x25: {  	[spmem:s1] =	stream.indirect.scatter.add.f32 [tilespmem:s11], [sflag:$0x1], $0x10, s18, s15, $0xb8;
	[tilespmem:$0x56E0] =	vst v63  }
.Ltmp0:
0x26: {  	_ = 	snop;
	(pc) =	sbr.rel @p1 .LBB2_2-.Ltmp0, $4  }
0x27: {  	_ = 	snop  }
0x28: {  	s17 =	sadd.s32 $0x200, s17  }
0x29: {  	_ =	swait.ge [sflag:s10], $0x7D0  }
0x2a: {  	[sflag:s10] =	ssyncset.done $0x0  }
0x2b: {  	[sflag:s10] =	ssyncadd.s32 $0xFFFFF830  }
0x2c: {  	[bflag:$0x0] =	sbarrier.arrive $0xFFFF  }
0x2d: {  	[hbm:s7], [sflag:s12] =	dma.local [spmem:s13], $0x4E0  }
0x2e: {  	s16 =	sadd.s32 $0x1, s16;
	_ =	swait.ge [sflag:s10], $0x4E0  }
0x2f: {  	p1 =	sne.s32 s16, s9;
	[sflag:s10] =	ssyncset.done $0x0  }
.Ltmp1:
0x30: {  	s17 =	simm.s32 @!p0 $0x1;
	[sflag:s10] =	ssyncadd.s32 $0xFFFFFB20;
	(pc) =	sbr.rel @p1 .LBB2_1-.Ltmp1, $4  }
0x31: {  	[hbm:s8], [sflag:s12] =	dma.local @!p0 [spmem:s14], $0x20  }
0x32: {  	_ =	swait.ge @!p0 [sflag:s17], $0x20  }
0x33: {  	[sflag:s17] =	ssyncset.done @!p0 $0x0  }
0x34: {  	[sflag:s17] =	ssyncadd.s32 @!p0 $0xFFFFFFE0  }
0x35: {  	_ =	sfence.sel $0x180000  }
0x36: {  	[bflag:$0x0] =	sbarrier.arrive $0xFFFF  }
0x37: {  	_ =	strace $0x90000047  }
0x38: {  	s0 =	sadd.s32 @!p0 $0x100000, s0;
	[bflag:$0x2] =	sbarrier.arrive $0xFFFF  }
0x39: {  	[sflag:s0] =	ssyncadd.tile.s32 @!p0 $0x1;
	_ =	shalt  }
.Lfunc_end2:
_tile_overlayer_lowered:
.L_overlay_start_2:
0x3a: {  	(tag) =	ssettag $0x2  }
0x3b: {  	s0 =	rddreg [dreg:$0x0];
	s2 =	stileid.u32  }
0x3c: {  	s1 =	rddreg [dreg:$0x1];
	p0 =	sne.s32 s2, $0x0  }
0x3d: {  	s3 =	rddreg [dreg:$0x2];
	[bflag:$0x3] =	sbarrier.arrive $0xFFFF;
	s2 =	simm.s32 @!p0 $0x1C01  }
0x3e: {  	[timem:s3], [sflag:s2] =	dma.local @!p0 [hbm:s0], s1  }
0x3f: {  	s0 =	simm.s32 @!p0 $0x1  }
0x40: {  	_ =	swait.ge @!p0 [sflag:s0], s1  }
0x41: {  	s1 =	ssub.s32 @!p0 $0x0, s1;
	[sflag:s0] =	ssyncset.done @!p0 $0x0  }
0x42: {  	[sflag:s0] =	ssyncadd.s32 @!p0 s1  }
0x43: {  	[bflag:$0x3] =	sbarrier.arrive $0xFFFF  }
0x44: {  	_ =	shalt  }

</sc_bundles>
